<compile_context>
chip_gen: v7x
topology: tpu7x:2x2x1
jax: 0.10.2.dev20260603
libtpu: 0.0.44.dev20260713+nightly
codegen_flags: <defaults>
</compile_context>

<pallas_src>
import jax
import jax.numpy as jnp
from jax import lax
from jax.experimental import pallas as pl
from jax.experimental.pallas import tpu as pltpu
from jax.experimental.pallas import tpu_sc as plsc

_L = 16
_NC = 2
_NS = 16
_NW = _NC * _NS

_TOTAL, _D = 16384, 1024
_NT = 16
_ROWS = _TOTAL // _NT

_XSC = 4
_WPT = 8
_CW = _D // _WPT
_NACT = _XSC * _WPT
_CH = 32
_NCHUNK = _ROWS // _CH
_NBUF = 4
_NGRP = _NCHUNK // _NBUF
_NV = _CW // _L


def _sc_mean(enc_hbm, out_hbm, buf0, buf1, buf2, buf3, acc_v,
             sem0, sem1, sem2, sem3):
    c = lax.axis_index("c")
    s = lax.axis_index("s")
    wid = s * _NC + c

    @pl.when(wid < _NACT)
    def _():
        t = wid // _WPT
        h = wid % _WPT
        row0 = t * _ROWS
        col0 = h * _CW
        bufs = (buf0, buf1, buf2, buf3)
        sems = (sem0, sem1, sem2, sem3)

        def src(i):
            return enc_hbm.at[pl.ds(row0 + i * _CH, _CH), pl.ds(col0, _CW)]

        for b in range(_NBUF):
            pltpu.async_copy(src(b), bufs[b], sems[b])

        def group_body(g, accs):
            for b in range(_NBUF):
                i = g * _NBUF + b
                buf = bufs[b]
                pltpu.make_async_copy(src(i), buf, sems[b]).wait()

                def row_body(r, a, buf=buf):
                    return tuple(
                        a[v] + buf[r, pl.ds(v * _L, _L)] for v in range(_NV))

                accs = lax.fori_loop(0, _CH, row_body, accs)

                @pl.when(g < _NGRP - 1)
                def _():
                    pltpu.async_copy(src(i + _NBUF), buf, sems[b])
            return accs

        accs = (jnp.zeros((_L,), jnp.float32),) * _NV
        accs = lax.fori_loop(0, _NGRP, group_body, accs)

        scale = 1.0 / _ROWS
        for v in range(_NV):
            acc_v[pl.ds(v * _L, _L)] = accs[v] * scale
        pltpu.sync_copy(acc_v, out_hbm.at[t, pl.ds(col0, _CW)])


def _tc_body(x_ref, o_ref):
    t = pl.program_id(0)
    scale = 1.0 / _ROWS
    o_ref[2 * t, :] = jnp.sum(x_ref[:_ROWS, :], axis=0) * scale
    o_ref[2 * t + 1, :] = jnp.sum(x_ref[_ROWS:, :], axis=0) * scale


def kernel(encodings, words_per_sentence, sentences_per_text):
    mesh = plsc.VectorSubcoreMesh(core_axis_name="c", subcore_axis_name="s")
    sc_fn = pl.kernel(
        _sc_mean,
        mesh=mesh,
        out_type=jax.ShapeDtypeStruct((_XSC, _D), jnp.float32),
        scratch_types=[
            pltpu.VMEM((_CH, _CW), jnp.float32),
            pltpu.VMEM((_CH, _CW), jnp.float32),
            pltpu.VMEM((_CH, _CW), jnp.float32),
            pltpu.VMEM((_CH, _CW), jnp.float32),
            pltpu.VMEM((_CW,), jnp.float32),
            pltpu.SemaphoreType.DMA,
            pltpu.SemaphoreType.DMA,
            pltpu.SemaphoreType.DMA,
            pltpu.SemaphoreType.DMA,
        ],
    )
    out_sc = sc_fn(encodings)

    n_tc = _NT - _XSC
    out_tc = pl.pallas_call(
        _tc_body,
        grid=(n_tc // 2,),
        in_specs=[pl.BlockSpec((2 * _ROWS, _D), lambda t: (t + _XSC // 2, 0))],
        out_specs=pl.BlockSpec((n_tc, _D), lambda t: (0, 0)),
        out_shape=jax.ShapeDtypeStruct((n_tc, _D), jnp.float32),
    )(encodings)

    return jnp.concatenate([out_sc, out_tc], axis=0)

# --- scband reference (transcript-rebuilt; emitter-appended) ---
"""Pipeline reference for scband-text-encoder-14190571946347 (READ-ONLY COPY).

The authoritative reference and input builder live on the scoring server;
editing this copy changes nothing except your own understanding.
"""

import jax, jax.numpy as jnp
import numpy as np


def contiguous_mean(x, sections):
    # Mean over contiguous sections of rows of x.
    # sections: int32[n] lengths summing to x.shape[0].
    n = sections.shape[0]
    total = x.shape[0]
    seg_ids = jnp.repeat(jnp.arange(n, dtype=jnp.int32), sections, total_repeat_length=total)
    sums = jax.ops.segment_sum(x, seg_ids, num_segments=n)
    return sums / sections.astype(x.dtype)[:, None]


def setup_inputs(seed: int = 0) -> dict:
    key = jax.random.key(seed)
    k1, k2 = jax.random.split(key)
    total_words = 16384
    d = 1024
    num_sentences = 512
    num_texts = 16
    encodings = jax.random.normal(k1, (total_words, d), dtype=jnp.float32)
    # uniform section sizes: 32 words per sentence, 32 sentences per text
    words_per_sentence = jnp.full((num_sentences,), total_words // num_sentences, dtype=jnp.int32)
    sentences_per_text = jnp.full((num_texts,), num_sentences // num_texts, dtype=jnp.int32)
    return {"encodings": encodings, "words_per_sentence": words_per_sentence, "sentences_per_text": sentences_per_text}


def reference(encodings, words_per_sentence, sentences_per_text):
    # TextEncoder.reduce with reduce_transformations = {SENTENCE, TEXT},
    # reduced_to_sentence = False on entry.
    # SENTENCE level reduction:
    enc = contiguous_mean(encodings, words_per_sentence)
    reduced_to_sentence = True
    # TEXT level reduction (reduced_to_sentence -> use sentences_per_text):
    enc = contiguous_mean(enc, sentences_per_text)
    return enc

if __name__ == "__main__":
    import jax
    _d = setup_inputs()
    print(jax.jit(kernel)(*tuple(_d.values())))

</pallas_src>

<mosaic_0001>
#map = affine_map<(d0, d1) -> (0, 0)>
module attributes {stable_mosaic.version = 14 : i64} {
  func.func @_sc_mean(%arg0: i32, %arg1: i32, %arg2: memref<16384x1024xf32, #tpu.memory_space<hbm>>, %arg3: memref<4x1024xf32, #tpu.memory_space<hbm>>, %arg4: memref<32x128xf32, #tpu.memory_space<vmem>>, %arg5: memref<32x128xf32, #tpu.memory_space<vmem>>, %arg6: memref<32x128xf32, #tpu.memory_space<vmem>>, %arg7: memref<32x128xf32, #tpu.memory_space<vmem>>, %arg8: memref<128xf32, #tpu.memory_space<vmem>>, %arg9: memref<!tpu.dma_semaphore, #tpu.memory_space<semaphore_mem>>, %arg10: memref<!tpu.dma_semaphore, #tpu.memory_space<semaphore_mem>>, %arg11: memref<!tpu.dma_semaphore, #tpu.memory_space<semaphore_mem>>, %arg12: memref<!tpu.dma_semaphore, #tpu.memory_space<semaphore_mem>>) attributes {dimension_semantics = [#tpu.dimension_semantics<core_parallel>, #tpu.dimension_semantics<subcore_parallel>], iteration_bounds = array<i64: 2, 16>, scalar_prefetch = 0 : i64, scratch_operands = 9 : i64, tpu.core_type = #tpu.core_type<sc_vector_subcore>, window_params = [{transform_indices = #map}, {transform_indices = #map}]} {
    %mul3A = arith.constant 2 : i32
    %mul3A_0 = arith.muli %arg1, %mul3A : i32
    %add3A = arith.addi %mul3A_0, %arg0 : i32
    %lt3A = arith.constant 32 : i32
    %lt3A_1 = arith.cmpi slt, %add3A, %lt3A : i32
    %convert_element_type3A = arith.extui %lt3A_1 : i1 to i32
    %cond3A = arith.constant 0 : i32
    %cond3A_2 = arith.cmpi ne, %convert_element_type3A, %cond3A : i32
    scf.if %cond3A_2 {
      %jit3A = arith.constant 8 : i32
      %div3A = arith.divsi %add3A, %jit3A : i32
      %sign3A = arith.constant 0 : i32
      %sign3A_3 = arith.cmpi sgt, %add3A, %sign3A : i32
      %sign3A_4 = arith.extui %sign3A_3 : i1 to i32
      %sign3A_5 = arith.constant 0 : i32
      %sign3A_6 = arith.cmpi slt, %add3A, %sign3A_5 : i32
      %sign3A_7 = arith.extui %sign3A_6 : i1 to i32
      %sign3A_8 = arith.subi %sign3A_4, %sign3A_7 : i32
      %sign3A_9 = arith.constant 0 : i32
      %sign3A_10 = arith.cmpi sgt, %jit3A, %sign3A_9 : i32
      %sign3A_11 = arith.extui %sign3A_10 : i1 to i32
      %sign3A_12 = arith.constant 0 : i32
      %sign3A_13 = arith.cmpi slt, %jit3A, %sign3A_12 : i32
      %sign3A_14 = arith.extui %sign3A_13 : i1 to i32
      %sign3A_15 = arith.subi %sign3A_11, %sign3A_14 : i32
      %ne3A = arith.cmpi ne, %sign3A_8, %sign3A_15 : i32
      %rem3A = arith.remsi %add3A, %jit3A : i32
      %ne3A_16 = arith.constant 0 : i32
      %ne3A_17 = arith.cmpi ne, %rem3A, %ne3A_16 : i32
      %and3A = arith.andi %ne3A, %ne3A_17 : i1
      %sub3A = arith.constant 1 : i32
      %sub3A_18 = arith.subi %div3A, %sub3A : i32
      %select_n3A = arith.select %and3A, %sub3A_18, %div3A : i32
      %jit3A_19 = arith.constant 8 : i32
      %eq3A = arith.constant 0 : i32
      %eq3A_20 = arith.cmpi eq, %jit3A_19, %eq3A : i32
      %jit3A_21 = arith.constant 1 : i32
      %select_n3A_22 = arith.select %eq3A_20, %jit3A_21, %jit3A_19 : i32
      %rem3A_23 = arith.remsi %add3A, %select_n3A_22 : i32
      %ne3A_24 = arith.constant 0 : i32
      %ne3A_25 = arith.cmpi ne, %rem3A_23, %ne3A_24 : i32
      %lt3A_26 = arith.constant 0 : i32
      %lt3A_27 = arith.cmpi slt, %rem3A_23, %lt3A_26 : i32
      %lt3A_28 = arith.constant 0 : i32
      %lt3A_29 = arith.cmpi slt, %select_n3A_22, %lt3A_28 : i32
      %ne3A_30 = arith.xori %lt3A_27, %lt3A_29 : i1
      %and3A_31 = arith.andi %ne3A_30, %ne3A_25 : i1
      %add3A_32 = arith.addi %rem3A_23, %select_n3A_22 : i32
      %select_n3A_33 = arith.select %and3A_31, %add3A_32, %rem3A_23 : i32
      %mul3A_34 = arith.constant 1024 : i32
      %mul3A_35 = arith.muli %select_n3A, %mul3A_34 : i32
      %mul3A_36 = arith.constant 128 : i32
      %mul3A_37 = arith.muli %select_n3A_33, %mul3A_36 : i32
      %add3A_38 = arith.constant 0 : i32
      %add3A_39 = arith.addi %mul3A_35, %add3A_38 : i32
      %dma_start3A = tpu.memref_slice %arg2[%add3A_39, %mul3A_37] : memref<16384x1024xf32, #tpu.memory_space<hbm>> -> memref<32x128xf32, #tpu.memory_space<hbm>>
      %dma_start3A_40 = tpu.memref_slice %arg2[%add3A_39, %mul3A_37] : memref<16384x1024xf32, #tpu.memory_space<hbm>> -> memref<32x128xf32, #tpu.memory_space<hbm>>
      tpu.enqueue_dma source(%dma_start3A_40 : memref<32x128xf32, #tpu.memory_space<hbm>>) target(%arg4 : memref<32x128xf32, #tpu.memory_space<vmem>>) target_semaphore(%arg9 : memref<!tpu.dma_semaphore, #tpu.memory_space<semaphore_mem>>)
      %add3A_41 = arith.constant 32 : i32
      %add3A_42 = arith.addi %mul3A_35, %add3A_41 : i32
      %dma_start3A_43 = tpu.memref_slice %arg2[%add3A_42, %mul3A_37] : memref<16384x1024xf32, #tpu.memory_space<hbm>> -> memref<32x128xf32, #tpu.memory_space<hbm>>
      %dma_start3A_44 = tpu.memref_slice %arg2[%add3A_42, %mul3A_37] : memref<16384x1024xf32, #tpu.memory_space<hbm>> -> memref<32x128xf32, #tpu.memory_space<hbm>>
      tpu.enqueue_dma source(%dma_start3A_44 : memref<32x128xf32, #tpu.memory_space<hbm>>) target(%arg5 : memref<32x128xf32, #tpu.memory_space<vmem>>) target_semaphore(%arg10 : memref<!tpu.dma_semaphore, #tpu.memory_space<semaphore_mem>>)
      %add3A_45 = arith.constant 64 : i32
      %add3A_46 = arith.addi %mul3A_35, %add3A_45 : i32
      %dma_start3A_47 = tpu.memref_slice %arg2[%add3A_46, %mul3A_37] : memref<16384x1024xf32, #tpu.memory_space<hbm>> -> memref<32x128xf32, #tpu.memory_space<hbm>>
      %dma_start3A_48 = tpu.memref_slice %arg2[%add3A_46, %mul3A_37] : memref<16384x1024xf32, #tpu.memory_space<hbm>> -> memref<32x128xf32, #tpu.memory_space<hbm>>
      tpu.enqueue_dma source(%dma_start3A_48 : memref<32x128xf32, #tpu.memory_space<hbm>>) target(%arg6 : memref<32x128xf32, #tpu.memory_space<vmem>>) target_semaphore(%arg11 : memref<!tpu.dma_semaphore, #tpu.memory_space<semaphore_mem>>)
      %add3A_49 = arith.constant 96 : i32
      %add3A_50 = arith.addi %mul3A_35, %add3A_49 : i32
      %dma_start3A_51 = tpu.memref_slice %arg2[%add3A_50, %mul3A_37] : memref<16384x1024xf32, #tpu.memory_space<hbm>> -> memref<32x128xf32, #tpu.memory_space<hbm>>
      %dma_start3A_52 = tpu.memref_slice %arg2[%add3A_50, %mul3A_37] : memref<16384x1024xf32, #tpu.memory_space<hbm>> -> memref<32x128xf32, #tpu.memory_space<hbm>>
      tpu.enqueue_dma source(%dma_start3A_52 : memref<32x128xf32, #tpu.memory_space<hbm>>) target(%arg7 : memref<32x128xf32, #tpu.memory_space<vmem>>) target_semaphore(%arg12 : memref<!tpu.dma_semaphore, #tpu.memory_space<semaphore_mem>>)
      %broadcast_in_dim3A = arith.constant 0.000000e+00 : f32
      %broadcast_in_dim3A_53 = vector.broadcast %broadcast_in_dim3A : f32 to vector<16xf32>
      %scan3A = arith.constant 0 : i32
      %scan3A_54 = arith.constant 8 : i32
      %scan3A_55 = arith.addi %scan3A, %scan3A_54 : i32
      %scan3A_56 = arith.constant 1 : i32
      %scan3A_57:8 = scf.for %scan3A_114 = %scan3A to %scan3A_55 step %scan3A_56 iter_args(%scan3A_115 = %broadcast_in_dim3A_53, %scan3A_116 = %broadcast_in_dim3A_53, %scan3A_117 = %broadcast_in_dim3A_53, %scan3A_118 = %broadcast_in_dim3A_53, %scan3A_119 = %broadcast_in_dim3A_53, %scan3A_120 = %broadcast_in_dim3A_53, %scan3A_121 = %broadcast_in_dim3A_53, %scan3A_122 = %broadcast_in_dim3A_53) -> (vector<16xf32>, vector<16xf32>, vector<16xf32>, vector<16xf32>, vector<16xf32>, vector<16xf32>, vector<16xf32>, vector<16xf32>)  : i32 {
        %mul3A_123 = arith.constant 4 : i32
        %mul3A_124 = arith.muli %scan3A_114, %mul3A_123 : i32
        %add3A_125 = arith.constant 0 : i32
        %add3A_126 = arith.addi %mul3A_124, %add3A_125 : i32
        %mul3A_127 = arith.constant 32 : i32
        %mul3A_128 = arith.muli %add3A_126, %mul3A_127 : i32
        %add3A_129 = arith.addi %mul3A_35, %mul3A_128 : i32
        %dma_wait3A = tpu.memref_slice %arg2[%add3A_129, %mul3A_37] : memref<16384x1024xf32, #tpu.memory_space<hbm>> -> memref<32x128xf32, #tpu.memory_space<hbm>>
        %dma_wait3A_130 = tpu.memref_slice %arg2[%add3A_129, %mul3A_37] : memref<16384x1024xf32, #tpu.memory_space<hbm>> -> memref<32x128xf32, #tpu.memory_space<hbm>>
        tpu.wait_dma2 semaphore(%arg9 : memref<!tpu.dma_semaphore, #tpu.memory_space<semaphore_mem>>) src(%dma_wait3A_130 : memref<32x128xf32, #tpu.memory_space<hbm>>) dst(%arg4 : memref<32x128xf32, #tpu.memory_space<vmem>>)
        %scan3A_131 = arith.constant 0 : i32
        %scan3A_132 = arith.constant 32 : i32
        %scan3A_133 = arith.addi %scan3A_131, %scan3A_132 : i32
        %scan3A_134 = arith.constant 1 : i32
        %scan3A_135:8 = scf.for %scan3A_202 = %scan3A_131 to %scan3A_133 step %scan3A_134 iter_args(%scan3A_203 = %scan3A_115, %scan3A_204 = %scan3A_116, %scan3A_205 = %scan3A_117, %scan3A_206 = %scan3A_118, %scan3A_207 = %scan3A_119, %scan3A_208 = %scan3A_120, %scan3A_209 = %scan3A_121, %scan3A_210 = %scan3A_122) -> (vector<16xf32>, vector<16xf32>, vector<16xf32>, vector<16xf32>, vector<16xf32>, vector<16xf32>, vector<16xf32>, vector<16xf32>)  : i32 {
          %get3A = arith.index_cast %scan3A_202 : i32 to index
          %get3A_211 = arith.constant 0 : index
          %get3A_212 = tpu.vector_load %arg4[%get3A, %get3A_211] {strides = array<i32>} : memref<32x128xf32, #tpu.memory_space<vmem>>, vector<1x16xf32>,
          %get3A_213 = vector.shape_cast %get3A_212 : vector<1x16xf32> to vector<16xf32>
          %add3A_214 = arith.addf %scan3A_203, %get3A_213 : vector<16xf32>
          %get3A_215 = arith.index_cast %scan3A_202 : i32 to index
          %get3A_216 = arith.constant 16 : index
          %get3A_217 = tpu.vector_load %arg4[%get3A_215, %get3A_216] {strides = array<i32>} : memref<32x128xf32, #tpu.memory_space<vmem>>, vector<1x16xf32>,
          %get3A_218 = vector.shape_cast %get3A_217 : vector<1x16xf32> to vector<16xf32>
          %add3A_219 = arith.addf %scan3A_204, %get3A_218 : vector<16xf32>
          %get3A_220 = arith.index_cast %scan3A_202 : i32 to index
          %get3A_221 = arith.constant 32 : index
          %get3A_222 = tpu.vector_load %arg4[%get3A_220, %get3A_221] {strides = array<i32>} : memref<32x128xf32, #tpu.memory_space<vmem>>, vector<1x16xf32>,
          %get3A_223 = vector.shape_cast %get3A_222 : vector<1x16xf32> to vector<16xf32>
          %add3A_224 = arith.addf %scan3A_205, %get3A_223 : vector<16xf32>
          %get3A_225 = arith.index_cast %scan3A_202 : i32 to index
          %get3A_226 = arith.constant 48 : index
          %get3A_227 = tpu.vector_load %arg4[%get3A_225, %get3A_226] {strides = array<i32>} : memref<32x128xf32, #tpu.memory_space<vmem>>, vector<1x16xf32>,
          %get3A_228 = vector.shape_cast %get3A_227 : vector<1x16xf32> to vector<16xf32>
          %add3A_229 = arith.addf %scan3A_206, %get3A_228 : vector<16xf32>
          %get3A_230 = arith.index_cast %scan3A_202 : i32 to index
          %get3A_231 = arith.constant 64 : index
          %get3A_232 = tpu.vector_load %arg4[%get3A_230, %get3A_231] {strides = array<i32>} : memref<32x128xf32, #tpu.memory_space<vmem>>, vector<1x16xf32>,
          %get3A_233 = vector.shape_cast %get3A_232 : vector<1x16xf32> to vector<16xf32>
          %add3A_234 = arith.addf %scan3A_207, %get3A_233 : vector<16xf32>
          %get3A_235 = arith.index_cast %scan3A_202 : i32 to index
          %get3A_236 = arith.constant 80 : index
          %get3A_237 = tpu.vector_load %arg4[%get3A_235, %get3A_236] {strides = array<i32>} : memref<32x128xf32, #tpu.memory_space<vmem>>, vector<1x16xf32>,
          %get3A_238 = vector.shape_cast %get3A_237 : vector<1x16xf32> to vector<16xf32>
          %add3A_239 = arith.addf %scan3A_208, %get3A_238 : vector<16xf32>
          %get3A_240 = arith.index_cast %scan3A_202 : i32 to index
          %get3A_241 = arith.constant 96 : index
          %get3A_242 = tpu.vector_load %arg4[%get3A_240, %get3A_241] {strides = array<i32>} : memref<32x128xf32, #tpu.memory_space<vmem>>, vector<1x16xf32>,
          %get3A_243 = vector.shape_cast %get3A_242 : vector<1x16xf32> to vector<16xf32>
          %add3A_244 = arith.addf %scan3A_209, %get3A_243 : vector<16xf32>
          %get3A_245 = arith.index_cast %scan3A_202 : i32 to index
          %get3A_246 = arith.constant 112 : index
          %get3A_247 = tpu.vector_load %arg4[%get3A_245, %get3A_246] {strides = array<i32>} : memref<32x128xf32, #tpu.memory_space<vmem>>, vector<1x16xf32>,
          %get3A_248 = vector.shape_cast %get3A_247 : vector<1x16xf32> to vector<16xf32>
          %add3A_249 = arith.addf %scan3A_210, %get3A_248 : vector<16xf32>
          scf.yield %add3A_214, %add3A_219, %add3A_224, %add3A_229, %add3A_234, %add3A_239, %add3A_244, %add3A_249 : vector<16xf32>, vector<16xf32>, vector<16xf32>, vector<16xf32>, vector<16xf32>, vector<16xf32>, vector<16xf32>, vector<16xf32>
        }
        %scan3A_136 = arith.constant 32 : i32
        %lt3A_137 = arith.constant 7 : i32
        %lt3A_138 = arith.cmpi slt, %scan3A_114, %lt3A_137 : i32
        %convert_element_type3A_139 = arith.extui %lt3A_138 : i1 to i32
        %cond3A_140 = arith.constant 0 : i32
        %cond3A_141 = arith.cmpi ne, %convert_element_type3A_139, %cond3A_140 : i32
        scf.if %cond3A_141 {
          %add3A_202 = arith.constant 4 : i32
          %add3A_203 = arith.addi %add3A_126, %add3A_202 : i32
          %mul3A_204 = arith.constant 32 : i32
          %mul3A_205 = arith.muli %add3A_203, %mul3A_204 : i32
          %add3A_206 = arith.addi %mul3A_35, %mul3A_205 : i32
          %dma_start3A_207 = tpu.memref_slice %arg2[%add3A_206, %mul3A_37] : memref<16384x1024xf32, #tpu.memory_space<hbm>> -> memref<32x128xf32, #tpu.memory_space<hbm>>
          %dma_start3A_208 = tpu.memref_slice %arg2[%add3A_206, %mul3A_37] : memref<16384x1024xf32, #tpu.memory_space<hbm>> -> memref<32x128xf32, #tpu.memory_space<hbm>>
          tpu.enqueue_dma source(%dma_start3A_208 : memref<32x128xf32, #tpu.memory_space<hbm>>) target(%arg4 : memref<32x128xf32, #tpu.memory_space<vmem>>) target_semaphore(%arg9 : memref<!tpu.dma_semaphore, #tpu.memory_space<semaphore_mem>>)
        } else {
        }
        %mul3A_142 = arith.constant 4 : i32
        %mul3A_143 = arith.muli %scan3A_114, %mul3A_142 : i32
        %add3A_144 = arith.constant 1 : i32
        %add3A_145 = arith.addi %mul3A_143, %add3A_144 : i32
        %mul3A_146 = arith.constant 32 : i32
        %mul3A_147 = arith.muli %add3A_145, %mul3A_146 : i32
        %add3A_148 = arith.addi %mul3A_35, %mul3A_147 : i32
        %dma_wait3A_149 = tpu.memref_slice %arg2[%add3A_148, %mul3A_37] : memref<16384x1024xf32, #tpu.memory_space<hbm>> -> memref<32x128xf32, #tpu.memory_space<hbm>>
        %dma_wait3A_150 = tpu.memref_slice %arg2[%add3A_148, %mul3A_37] : memref<16384x1024xf32, #tpu.memory_space<hbm>> -> memref<32x128xf32, #tpu.memory_space<hbm>>
        tpu.wait_dma2 semaphore(%arg10 : memref<!tpu.dma_semaphore, #tpu.memory_space<semaphore_mem>>) src(%dma_wait3A_150 : memref<32x128xf32, #tpu.memory_space<hbm>>) dst(%arg5 : memref<32x128xf32, #tpu.memory_space<vmem>>)
        %scan3A_151 = arith.constant 0 : i32
        %scan3A_152 = arith.constant 32 : i32
        %scan3A_153 = arith.addi %scan3A_151, %scan3A_152 : i32
        %scan3A_154 = arith.constant 1 : i32
        %scan3A_155:8 = scf.for %scan3A_202 = %scan3A_151 to %scan3A_153 step %scan3A_154 iter_args(%scan3A_203 = %scan3A_135#0, %scan3A_204 = %scan3A_135#1, %scan3A_205 = %scan3A_135#2, %scan3A_206 = %scan3A_135#3, %scan3A_207 = %scan3A_135#4, %scan3A_208 = %scan3A_135#5, %scan3A_209 = %scan3A_135#6, %scan3A_210 = %scan3A_135#7) -> (vector<16xf32>, vector<16xf32>, vector<16xf32>, vector<16xf32>, vector<16xf32>, vector<16xf32>, vector<16xf32>, vector<16xf32>)  : i32 {
          %get3A = arith.index_cast %scan3A_202 : i32 to index
          %get3A_211 = arith.constant 0 : index
          %get3A_212 = tpu.vector_load %arg5[%get3A, %get3A_211] {strides = array<i32>} : memref<32x128xf32, #tpu.memory_space<vmem>>, vector<1x16xf32>,
          %get3A_213 = vector.shape_cast %get3A_212 : vector<1x16xf32> to vector<16xf32>
          %add3A_214 = arith.addf %scan3A_203, %get3A_213 : vector<16xf32>
          %get3A_215 = arith.index_cast %scan3A_202 : i32 to index
          %get3A_216 = arith.constant 16 : index
          %get3A_217 = tpu.vector_load %arg5[%get3A_215, %get3A_216] {strides = array<i32>} : memref<32x128xf32, #tpu.memory_space<vmem>>, vector<1x16xf32>,
          %get3A_218 = vector.shape_cast %get3A_217 : vector<1x16xf32> to vector<16xf32>
          %add3A_219 = arith.addf %scan3A_204, %get3A_218 : vector<16xf32>
          %get3A_220 = arith.index_cast %scan3A_202 : i32 to index
          %get3A_221 = arith.constant 32 : index
          %get3A_222 = tpu.vector_load %arg5[%get3A_220, %get3A_221] {strides = array<i32>} : memref<32x128xf32, #tpu.memory_space<vmem>>, vector<1x16xf32>,
          %get3A_223 = vector.shape_cast %get3A_222 : vector<1x16xf32> to vector<16xf32>
          %add3A_224 = arith.addf %scan3A_205, %get3A_223 : vector<16xf32>
          %get3A_225 = arith.index_cast %scan3A_202 : i32 to index
          %get3A_226 = arith.constant 48 : index
          %get3A_227 = tpu.vector_load %arg5[%get3A_225, %get3A_226] {strides = array<i32>} : memref<32x128xf32, #tpu.memory_space<vmem>>, vector<1x16xf32>,
          %get3A_228 = vector.shape_cast %get3A_227 : vector<1x16xf32> to vector<16xf32>
          %add3A_229 = arith.addf %scan3A_206, %get3A_228 : vector<16xf32>
          %get3A_230 = arith.index_cast %scan3A_202 : i32 to index
          %get3A_231 = arith.constant 64 : index
          %get3A_232 = tpu.vector_load %arg5[%get3A_230, %get3A_231] {strides = array<i32>} : memref<32x128xf32, #tpu.memory_space<vmem>>, vector<1x16xf32>,
          %get3A_233 = vector.shape_cast %get3A_232 : vector<1x16xf32> to vector<16xf32>
          %add3A_234 = arith.addf %scan3A_207, %get3A_233 : vector<16xf32>
          %get3A_235 = arith.index_cast %scan3A_202 : i32 to index
          %get3A_236 = arith.constant 80 : index
          %get3A_237 = tpu.vector_load %arg5[%get3A_235, %get3A_236] {strides = array<i32>} : memref<32x128xf32, #tpu.memory_space<vmem>>, vector<1x16xf32>,
          %get3A_238 = vector.shape_cast %get3A_237 : vector<1x16xf32> to vector<16xf32>
          %add3A_239 = arith.addf %scan3A_208, %get3A_238 : vector<16xf32>
          %get3A_240 = arith.index_cast %scan3A_202 : i32 to index
          %get3A_241 = arith.constant 96 : index
          %get3A_242 = tpu.vector_load %arg5[%get3A_240, %get3A_241] {strides = array<i32>} : memref<32x128xf32, #tpu.memory_space<vmem>>, vector<1x16xf32>,
          %get3A_243 = vector.shape_cast %get3A_242 : vector<1x16xf32> to vector<16xf32>
          %add3A_244 = arith.addf %scan3A_209, %get3A_243 : vector<16xf32>
          %get3A_245 = arith.index_cast %scan3A_202 : i32 to index
          %get3A_246 = arith.constant 112 : index
          %get3A_247 = tpu.vector_load %arg5[%get3A_245, %get3A_246] {strides = array<i32>} : memref<32x128xf32, #tpu.memory_space<vmem>>, vector<1x16xf32>,
          %get3A_248 = vector.shape_cast %get3A_247 : vector<1x16xf32> to vector<16xf32>
          %add3A_249 = arith.addf %scan3A_210, %get3A_248 : vector<16xf32>
          scf.yield %add3A_214, %add3A_219, %add3A_224, %add3A_229, %add3A_234, %add3A_239, %add3A_244, %add3A_249 : vector<16xf32>, vector<16xf32>, vector<16xf32>, vector<16xf32>, vector<16xf32>, vector<16xf32>, vector<16xf32>, vector<16xf32>
        }
        %scan3A_156 = arith.constant 32 : i32
        %lt3A_157 = arith.constant 7 : i32
        %lt3A_158 = arith.cmpi slt, %scan3A_114, %lt3A_157 : i32
        %convert_element_type3A_159 = arith.extui %lt3A_158 : i1 to i32
        %cond3A_160 = arith.constant 0 : i32
        %cond3A_161 = arith.cmpi ne, %convert_element_type3A_159, %cond3A_160 : i32
        scf.if %cond3A_161 {
          %add3A_202 = arith.constant 4 : i32
          %add3A_203 = arith.addi %add3A_145, %add3A_202 : i32
          %mul3A_204 = arith.constant 32 : i32
          %mul3A_205 = arith.muli %add3A_203, %mul3A_204 : i32
          %add3A_206 = arith.addi %mul3A_35, %mul3A_205 : i32
          %dma_start3A_207 = tpu.memref_slice %arg2[%add3A_206, %mul3A_37] : memref<16384x1024xf32, #tpu.memory_space<hbm>> -> memref<32x128xf32, #tpu.memory_space<hbm>>
          %dma_start3A_208 = tpu.memref_slice %arg2[%add3A_206, %mul3A_37] : memref<16384x1024xf32, #tpu.memory_space<hbm>> -> memref<32x128xf32, #tpu.memory_space<hbm>>
          tpu.enqueue_dma source(%dma_start3A_208 : memref<32x128xf32, #tpu.memory_space<hbm>>) target(%arg5 : memref<32x128xf32, #tpu.memory_space<vmem>>) target_semaphore(%arg10 : memref<!tpu.dma_semaphore, #tpu.memory_space<semaphore_mem>>)
        } else {
        }
        %mul3A_162 = arith.constant 4 : i32
        %mul3A_163 = arith.muli %scan3A_114, %mul3A_162 : i32
        %add3A_164 = arith.constant 2 : i32
        %add3A_165 = arith.addi %mul3A_163, %add3A_164 : i32
        %mul3A_166 = arith.constant 32 : i32
        %mul3A_167 = arith.muli %add3A_165, %mul3A_166 : i32
        %add3A_168 = arith.addi %mul3A_35, %mul3A_167 : i32
        %dma_wait3A_169 = tpu.memref_slice %arg2[%add3A_168, %mul3A_37] : memref<16384x1024xf32, #tpu.memory_space<hbm>> -> memref<32x128xf32, #tpu.memory_space<hbm>>
        %dma_wait3A_170 = tpu.memref_slice %arg2[%add3A_168, %mul3A_37] : memref<16384x1024xf32, #tpu.memory_space<hbm>> -> memref<32x128xf32, #tpu.memory_space<hbm>>
        tpu.wait_dma2 semaphore(%arg11 : memref<!tpu.dma_semaphore, #tpu.memory_space<semaphore_mem>>) src(%dma_wait3A_170 : memref<32x128xf32, #tpu.memory_space<hbm>>) dst(%arg6 : memref<32x128xf32, #tpu.memory_space<vmem>>)
        %scan3A_171 = arith.constant 0 : i32
        %scan3A_172 = arith.constant 32 : i32
        %scan3A_173 = arith.addi %scan3A_171, %scan3A_172 : i32
        %scan3A_174 = arith.constant 1 : i32
        %scan3A_175:8 = scf.for %scan3A_202 = %scan3A_171 to %scan3A_173 step %scan3A_174 iter_args(%scan3A_203 = %scan3A_155#0, %scan3A_204 = %scan3A_155#1, %scan3A_205 = %scan3A_155#2, %scan3A_206 = %scan3A_155#3, %scan3A_207 = %scan3A_155#4, %scan3A_208 = %scan3A_155#5, %scan3A_209 = %scan3A_155#6, %scan3A_210 = %scan3A_155#7) -> (vector<16xf32>, vector<16xf32>, vector<16xf32>, vector<16xf32>, vector<16xf32>, vector<16xf32>, vector<16xf32>, vector<16xf32>)  : i32 {
          %get3A = arith.index_cast %scan3A_202 : i32 to index
          %get3A_211 = arith.constant 0 : index
          %get3A_212 = tpu.vector_load %arg6[%get3A, %get3A_211] {strides = array<i32>} : memref<32x128xf32, #tpu.memory_space<vmem>>, vector<1x16xf32>,
          %get3A_213 = vector.shape_cast %get3A_212 : vector<1x16xf32> to vector<16xf32>
          %add3A_214 = arith.addf %scan3A_203, %get3A_213 : vector<16xf32>
          %get3A_215 = arith.index_cast %scan3A_202 : i32 to index
          %get3A_216 = arith.constant 16 : index
          %get3A_217 = tpu.vector_load %arg6[%get3A_215, %get3A_216] {strides = array<i32>} : memref<32x128xf32, #tpu.memory_space<vmem>>, vector<1x16xf32>,
          %get3A_218 = vector.shape_cast %get3A_217 : vector<1x16xf32> to vector<16xf32>
          %add3A_219 = arith.addf %scan3A_204, %get3A_218 : vector<16xf32>
          %get3A_220 = arith.index_cast %scan3A_202 : i32 to index
          %get3A_221 = arith.constant 32 : index
          %get3A_222 = tpu.vector_load %arg6[%get3A_220, %get3A_221] {strides = array<i32>} : memref<32x128xf32, #tpu.memory_space<vmem>>, vector<1x16xf32>,
          %get3A_223 = vector.shape_cast %get3A_222 : vector<1x16xf32> to vector<16xf32>
          %add3A_224 = arith.addf %scan3A_205, %get3A_223 : vector<16xf32>
          %get3A_225 = arith.index_cast %scan3A_202 : i32 to index
          %get3A_226 = arith.constant 48 : index
          %get3A_227 = tpu.vector_load %arg6[%get3A_225, %get3A_226] {strides = array<i32>} : memref<32x128xf32, #tpu.memory_space<vmem>>, vector<1x16xf32>,
          %get3A_228 = vector.shape_cast %get3A_227 : vector<1x16xf32> to vector<16xf32>
          %add3A_229 = arith.addf %scan3A_206, %get3A_228 : vector<16xf32>
          %get3A_230 = arith.index_cast %scan3A_202 : i32 to index
          %get3A_231 = arith.constant 64 : index
          %get3A_232 = tpu.vector_load %arg6[%get3A_230, %get3A_231] {strides = array<i32>} : memref<32x128xf32, #tpu.memory_space<vmem>>, vector<1x16xf32>,
          %get3A_233 = vector.shape_cast %get3A_232 : vector<1x16xf32> to vector<16xf32>
          %add3A_234 = arith.addf %scan3A_207, %get3A_233 : vector<16xf32>
          %get3A_235 = arith.index_cast %scan3A_202 : i32 to index
          %get3A_236 = arith.constant 80 : index
          %get3A_237 = tpu.vector_load %arg6[%get3A_235, %get3A_236] {strides = array<i32>} : memref<32x128xf32, #tpu.memory_space<vmem>>, vector<1x16xf32>,
          %get3A_238 = vector.shape_cast %get3A_237 : vector<1x16xf32> to vector<16xf32>
          %add3A_239 = arith.addf %scan3A_208, %get3A_238 : vector<16xf32>
          %get3A_240 = arith.index_cast %scan3A_202 : i32 to index
          %get3A_241 = arith.constant 96 : index
          %get3A_242 = tpu.vector_load %arg6[%get3A_240, %get3A_241] {strides = array<i32>} : memref<32x128xf32, #tpu.memory_space<vmem>>, vector<1x16xf32>,
          %get3A_243 = vector.shape_cast %get3A_242 : vector<1x16xf32> to vector<16xf32>
          %add3A_244 = arith.addf %scan3A_209, %get3A_243 : vector<16xf32>
          %get3A_245 = arith.index_cast %scan3A_202 : i32 to index
          %get3A_246 = arith.constant 112 : index
          %get3A_247 = tpu.vector_load %arg6[%get3A_245, %get3A_246] {strides = array<i32>} : memref<32x128xf32, #tpu.memory_space<vmem>>, vector<1x16xf32>,
          %get3A_248 = vector.shape_cast %get3A_247 : vector<1x16xf32> to vector<16xf32>
          %add3A_249 = arith.addf %scan3A_210, %get3A_248 : vector<16xf32>
          scf.yield %add3A_214, %add3A_219, %add3A_224, %add3A_229, %add3A_234, %add3A_239, %add3A_244, %add3A_249 : vector<16xf32>, vector<16xf32>, vector<16xf32>, vector<16xf32>, vector<16xf32>, vector<16xf32>, vector<16xf32>, vector<16xf32>
        }
        %scan3A_176 = arith.constant 32 : i32
        %lt3A_177 = arith.constant 7 : i32
        %lt3A_178 = arith.cmpi slt, %scan3A_114, %lt3A_177 : i32
        %convert_element_type3A_179 = arith.extui %lt3A_178 : i1 to i32
        %cond3A_180 = arith.constant 0 : i32
        %cond3A_181 = arith.cmpi ne, %convert_element_type3A_179, %cond3A_180 : i32
        scf.if %cond3A_181 {
          %add3A_202 = arith.constant 4 : i32
          %add3A_203 = arith.addi %add3A_165, %add3A_202 : i32
          %mul3A_204 = arith.constant 32 : i32
          %mul3A_205 = arith.muli %add3A_203, %mul3A_204 : i32
          %add3A_206 = arith.addi %mul3A_35, %mul3A_205 : i32
          %dma_start3A_207 = tpu.memref_slice %arg2[%add3A_206, %mul3A_37] : memref<16384x1024xf32, #tpu.memory_space<hbm>> -> memref<32x128xf32, #tpu.memory_space<hbm>>
          %dma_start3A_208 = tpu.memref_slice %arg2[%add3A_206, %mul3A_37] : memref<16384x1024xf32, #tpu.memory_space<hbm>> -> memref<32x128xf32, #tpu.memory_space<hbm>>
          tpu.enqueue_dma source(%dma_start3A_208 : memref<32x128xf32, #tpu.memory_space<hbm>>) target(%arg6 : memref<32x128xf32, #tpu.memory_space<vmem>>) target_semaphore(%arg11 : memref<!tpu.dma_semaphore, #tpu.memory_space<semaphore_mem>>)
        } else {
        }
        %mul3A_182 = arith.constant 4 : i32
        %mul3A_183 = arith.muli %scan3A_114, %mul3A_182 : i32
        %add3A_184 = arith.constant 3 : i32
        %add3A_185 = arith.addi %mul3A_183, %add3A_184 : i32
        %mul3A_186 = arith.constant 32 : i32
        %mul3A_187 = arith.muli %add3A_185, %mul3A_186 : i32
        %add3A_188 = arith.addi %mul3A_35, %mul3A_187 : i32
        %dma_wait3A_189 = tpu.memref_slice %arg2[%add3A_188, %mul3A_37] : memref<16384x1024xf32, #tpu.memory_space<hbm>> -> memref<32x128xf32, #tpu.memory_space<hbm>>
        %dma_wait3A_190 = tpu.memref_slice %arg2[%add3A_188, %mul3A_37] : memref<16384x1024xf32, #tpu.memory_space<hbm>> -> memref<32x128xf32, #tpu.memory_space<hbm>>
        tpu.wait_dma2 semaphore(%arg12 : memref<!tpu.dma_semaphore, #tpu.memory_space<semaphore_mem>>) src(%dma_wait3A_190 : memref<32x128xf32, #tpu.memory_space<hbm>>) dst(%arg7 : memref<32x128xf32, #tpu.memory_space<vmem>>)
        %scan3A_191 = arith.constant 0 : i32
        %scan3A_192 = arith.constant 32 : i32
        %scan3A_193 = arith.addi %scan3A_191, %scan3A_192 : i32
        %scan3A_194 = arith.constant 1 : i32
        %scan3A_195:8 = scf.for %scan3A_202 = %scan3A_191 to %scan3A_193 step %scan3A_194 iter_args(%scan3A_203 = %scan3A_175#0, %scan3A_204 = %scan3A_175#1, %scan3A_205 = %scan3A_175#2, %scan3A_206 = %scan3A_175#3, %scan3A_207 = %scan3A_175#4, %scan3A_208 = %scan3A_175#5, %scan3A_209 = %scan3A_175#6, %scan3A_210 = %scan3A_175#7) -> (vector<16xf32>, vector<16xf32>, vector<16xf32>, vector<16xf32>, vector<16xf32>, vector<16xf32>, vector<16xf32>, vector<16xf32>)  : i32 {
          %get3A = arith.index_cast %scan3A_202 : i32 to index
          %get3A_211 = arith.constant 0 : index
          %get3A_212 = tpu.vector_load %arg7[%get3A, %get3A_211] {strides = array<i32>} : memref<32x128xf32, #tpu.memory_space<vmem>>, vector<1x16xf32>,
          %get3A_213 = vector.shape_cast %get3A_212 : vector<1x16xf32> to vector<16xf32>
          %add3A_214 = arith.addf %scan3A_203, %get3A_213 : vector<16xf32>
          %get3A_215 = arith.index_cast %scan3A_202 : i32 to index
          %get3A_216 = arith.constant 16 : index
          %get3A_217 = tpu.vector_load %arg7[%get3A_215, %get3A_216] {strides = array<i32>} : memref<32x128xf32, #tpu.memory_space<vmem>>, vector<1x16xf32>,
          %get3A_218 = vector.shape_cast %get3A_217 : vector<1x16xf32> to vector<16xf32>
          %add3A_219 = arith.addf %scan3A_204, %get3A_218 : vector<16xf32>
          %get3A_220 = arith.index_cast %scan3A_202 : i32 to index
          %get3A_221 = arith.constant 32 : index
          %get3A_222 = tpu.vector_load %arg7[%get3A_220, %get3A_221] {strides = array<i32>} : memref<32x128xf32, #tpu.memory_space<vmem>>, vector<1x16xf32>,
          %get3A_223 = vector.shape_cast %get3A_222 : vector<1x16xf32> to vector<16xf32>
          %add3A_224 = arith.addf %scan3A_205, %get3A_223 : vector<16xf32>
          %get3A_225 = arith.index_cast %scan3A_202 : i32 to index
          %get3A_226 = arith.constant 48 : index
          %get3A_227 = tpu.vector_load %arg7[%get3A_225, %get3A_226] {strides = array<i32>} : memref<32x128xf32, #tpu.memory_space<vmem>>, vector<1x16xf32>,
          %get3A_228 = vector.shape_cast %get3A_227 : vector<1x16xf32> to vector<16xf32>
          %add3A_229 = arith.addf %scan3A_206, %get3A_228 : vector<16xf32>
          %get3A_230 = arith.index_cast %scan3A_202 : i32 to index
          %get3A_231 = arith.constant 64 : index
          %get3A_232 = tpu.vector_load %arg7[%get3A_230, %get3A_231] {strides = array<i32>} : memref<32x128xf32, #tpu.memory_space<vmem>>, vector<1x16xf32>,
          %get3A_233 = vector.shape_cast %get3A_232 : vector<1x16xf32> to vector<16xf32>
          %add3A_234 = arith.addf %scan3A_207, %get3A_233 : vector<16xf32>
          %get3A_235 = arith.index_cast %scan3A_202 : i32 to index
          %get3A_236 = arith.constant 80 : index
          %get3A_237 = tpu.vector_load %arg7[%get3A_235, %get3A_236] {strides = array<i32>} : memref<32x128xf32, #tpu.memory_space<vmem>>, vector<1x16xf32>,
          %get3A_238 = vector.shape_cast %get3A_237 : vector<1x16xf32> to vector<16xf32>
          %add3A_239 = arith.addf %scan3A_208, %get3A_238 : vector<16xf32>
          %get3A_240 = arith.index_cast %scan3A_202 : i32 to index
          %get3A_241 = arith.constant 96 : index
          %get3A_242 = tpu.vector_load %arg7[%get3A_240, %get3A_241] {strides = array<i32>} : memref<32x128xf32, #tpu.memory_space<vmem>>, vector<1x16xf32>,
          %get3A_243 = vector.shape_cast %get3A_242 : vector<1x16xf32> to vector<16xf32>
          %add3A_244 = arith.addf %scan3A_209, %get3A_243 : vector<16xf32>
          %get3A_245 = arith.index_cast %scan3A_202 : i32 to index
          %get3A_246 = arith.constant 112 : index
          %get3A_247 = tpu.vector_load %arg7[%get3A_245, %get3A_246] {strides = array<i32>} : memref<32x128xf32, #tpu.memory_space<vmem>>, vector<1x16xf32>,
          %get3A_248 = vector.shape_cast %get3A_247 : vector<1x16xf32> to vector<16xf32>
          %add3A_249 = arith.addf %scan3A_210, %get3A_248 : vector<16xf32>
          scf.yield %add3A_214, %add3A_219, %add3A_224, %add3A_229, %add3A_234, %add3A_239, %add3A_244, %add3A_249 : vector<16xf32>, vector<16xf32>, vector<16xf32>, vector<16xf32>, vector<16xf32>, vector<16xf32>, vector<16xf32>, vector<16xf32>
        }
        %scan3A_196 = arith.constant 32 : i32
        %lt3A_197 = arith.constant 7 : i32
        %lt3A_198 = arith.cmpi slt, %scan3A_114, %lt3A_197 : i32
        %convert_element_type3A_199 = arith.extui %lt3A_198 : i1 to i32
        %cond3A_200 = arith.constant 0 : i32
        %cond3A_201 = arith.cmpi ne, %convert_element_type3A_199, %cond3A_200 : i32
        scf.if %cond3A_201 {
          %add3A_202 = arith.constant 4 : i32
          %add3A_203 = arith.addi %add3A_185, %add3A_202 : i32
          %mul3A_204 = arith.constant 32 : i32
          %mul3A_205 = arith.muli %add3A_203, %mul3A_204 : i32
          %add3A_206 = arith.addi %mul3A_35, %mul3A_205 : i32
          %dma_start3A_207 = tpu.memref_slice %arg2[%add3A_206, %mul3A_37] : memref<16384x1024xf32, #tpu.memory_space<hbm>> -> memref<32x128xf32, #tpu.memory_space<hbm>>
          %dma_start3A_208 = tpu.memref_slice %arg2[%add3A_206, %mul3A_37] : memref<16384x1024xf32, #tpu.memory_space<hbm>> -> memref<32x128xf32, #tpu.memory_space<hbm>>
          tpu.enqueue_dma source(%dma_start3A_208 : memref<32x128xf32, #tpu.memory_space<hbm>>) target(%arg7 : memref<32x128xf32, #tpu.memory_space<vmem>>) target_semaphore(%arg12 : memref<!tpu.dma_semaphore, #tpu.memory_space<semaphore_mem>>)
        } else {
        }
        scf.yield %scan3A_195#0, %scan3A_195#1, %scan3A_195#2, %scan3A_195#3, %scan3A_195#4, %scan3A_195#5, %scan3A_195#6, %scan3A_195#7 : vector<16xf32>, vector<16xf32>, vector<16xf32>, vector<16xf32>, vector<16xf32>, vector<16xf32>, vector<16xf32>, vector<16xf32>
      }
      %scan3A_58 = arith.constant 8 : i32
      %mul3A_59 = arith.constant 9.765625E-4 : f32
      %mul3A_60 = vector.broadcast %mul3A_59 : f32 to vector<16xf32>
      %mul3A_61 = arith.mulf %scan3A_57#0, %mul3A_60 : vector<16xf32>
      %swap3A = arith.constant 0 : index
      %swap3A_62 = tpu.vector_load %arg8[%swap3A] {strides = array<i32>} : memref<128xf32, #tpu.memory_space<vmem>>, vector<16xf32>,
      %swap3A_63 = vector.shape_cast %swap3A_62 : vector<16xf32> to vector<16xf32>
      %swap3A_64 = vector.shape_cast %mul3A_61 : vector<16xf32> to vector<16xf32>
      tpu.vector_store %arg8[%swap3A], %swap3A_64 {strides = array<i32>} : memref<128xf32, #tpu.memory_space<vmem>>, vector<16xf32>,
      %mul3A_65 = arith.constant 9.765625E-4 : f32
      %mul3A_66 = vector.broadcast %mul3A_65 : f32 to vector<16xf32>
      %mul3A_67 = arith.mulf %scan3A_57#1, %mul3A_66 : vector<16xf32>
      %swap3A_68 = arith.constant 16 : index
      %swap3A_69 = tpu.vector_load %arg8[%swap3A_68] {strides = array<i32>} : memref<128xf32, #tpu.memory_space<vmem>>, vector<16xf32>,
      %swap3A_70 = vector.shape_cast %swap3A_69 : vector<16xf32> to vector<16xf32>
      %swap3A_71 = vector.shape_cast %mul3A_67 : vector<16xf32> to vector<16xf32>
      tpu.vector_store %arg8[%swap3A_68], %swap3A_71 {strides = array<i32>} : memref<128xf32, #tpu.memory_space<vmem>>, vector<16xf32>,
      %mul3A_72 = arith.constant 9.765625E-4 : f32
      %mul3A_73 = vector.broadcast %mul3A_72 : f32 to vector<16xf32>
      %mul3A_74 = arith.mulf %scan3A_57#2, %mul3A_73 : vector<16xf32>
      %swap3A_75 = arith.constant 32 : index
      %swap3A_76 = tpu.vector_load %arg8[%swap3A_75] {strides = array<i32>} : memref<128xf32, #tpu.memory_space<vmem>>, vector<16xf32>,
      %swap3A_77 = vector.shape_cast %swap3A_76 : vector<16xf32> to vector<16xf32>
      %swap3A_78 = vector.shape_cast %mul3A_74 : vector<16xf32> to vector<16xf32>
      tpu.vector_store %arg8[%swap3A_75], %swap3A_78 {strides = array<i32>} : memref<128xf32, #tpu.memory_space<vmem>>, vector<16xf32>,
      %mul3A_79 = arith.constant 9.765625E-4 : f32
      %mul3A_80 = vector.broadcast %mul3A_79 : f32 to vector<16xf32>
      %mul3A_81 = arith.mulf %scan3A_57#3, %mul3A_80 : vector<16xf32>
      %swap3A_82 = arith.constant 48 : index
      %swap3A_83 = tpu.vector_load %arg8[%swap3A_82] {strides = array<i32>} : memref<128xf32, #tpu.memory_space<vmem>>, vector<16xf32>,
      %swap3A_84 = vector.shape_cast %swap3A_83 : vector<16xf32> to vector<16xf32>
      %swap3A_85 = vector.shape_cast %mul3A_81 : vector<16xf32> to vector<16xf32>
      tpu.vector_store %arg8[%swap3A_82], %swap3A_85 {strides = array<i32>} : memref<128xf32, #tpu.memory_space<vmem>>, vector<16xf32>,
      %mul3A_86 = arith.constant 9.765625E-4 : f32
      %mul3A_87 = vector.broadcast %mul3A_86 : f32 to vector<16xf32>
      %mul3A_88 = arith.mulf %scan3A_57#4, %mul3A_87 : vector<16xf32>
      %swap3A_89 = arith.constant 64 : index
      %swap3A_90 = tpu.vector_load %arg8[%swap3A_89] {strides = array<i32>} : memref<128xf32, #tpu.memory_space<vmem>>, vector<16xf32>,
      %swap3A_91 = vector.shape_cast %swap3A_90 : vector<16xf32> to vector<16xf32>
      %swap3A_92 = vector.shape_cast %mul3A_88 : vector<16xf32> to vector<16xf32>
      tpu.vector_store %arg8[%swap3A_89], %swap3A_92 {strides = array<i32>} : memref<128xf32, #tpu.memory_space<vmem>>, vector<16xf32>,
      %mul3A_93 = arith.constant 9.765625E-4 : f32
      %mul3A_94 = vector.broadcast %mul3A_93 : f32 to vector<16xf32>
      %mul3A_95 = arith.mulf %scan3A_57#5, %mul3A_94 : vector<16xf32>
      %swap3A_96 = arith.constant 80 : index
      %swap3A_97 = tpu.vector_load %arg8[%swap3A_96] {strides = array<i32>} : memref<128xf32, #tpu.memory_space<vmem>>, vector<16xf32>,
      %swap3A_98 = vector.shape_cast %swap3A_97 : vector<16xf32> to vector<16xf32>
      %swap3A_99 = vector.shape_cast %mul3A_95 : vector<16xf32> to vector<16xf32>
      tpu.vector_store %arg8[%swap3A_96], %swap3A_99 {strides = array<i32>} : memref<128xf32, #tpu.memory_space<vmem>>, vector<16xf32>,
      %mul3A_100 = arith.constant 9.765625E-4 : f32
      %mul3A_101 = vector.broadcast %mul3A_100 : f32 to vector<16xf32>
      %mul3A_102 = arith.mulf %scan3A_57#6, %mul3A_101 : vector<16xf32>
      %swap3A_103 = arith.constant 96 : index
      %swap3A_104 = tpu.vector_load %arg8[%swap3A_103] {strides = array<i32>} : memref<128xf32, #tpu.memory_space<vmem>>, vector<16xf32>,
      %swap3A_105 = vector.shape_cast %swap3A_104 : vector<16xf32> to vector<16xf32>
      %swap3A_106 = vector.shape_cast %mul3A_102 : vector<16xf32> to vector<16xf32>
      tpu.vector_store %arg8[%swap3A_103], %swap3A_106 {strides = array<i32>} : memref<128xf32, #tpu.memory_space<vmem>>, vector<16xf32>,
      %mul3A_107 = arith.constant 9.765625E-4 : f32
      %mul3A_108 = vector.broadcast %mul3A_107 : f32 to vector<16xf32>
      %mul3A_109 = arith.mulf %scan3A_57#7, %mul3A_108 : vector<16xf32>
      %swap3A_110 = arith.constant 112 : index
      %swap3A_111 = tpu.vector_load %arg8[%swap3A_110] {strides = array<i32>} : memref<128xf32, #tpu.memory_space<vmem>>, vector<16xf32>,
      %swap3A_112 = vector.shape_cast %swap3A_111 : vector<16xf32> to vector<16xf32>
      %swap3A_113 = vector.shape_cast %mul3A_109 : vector<16xf32> to vector<16xf32>
      tpu.vector_store %arg8[%swap3A_110], %swap3A_113 {strides = array<i32>} : memref<128xf32, #tpu.memory_space<vmem>>, vector<16xf32>,
      "tpu.region"() ({
        %run_scoped3A = tpu.sem_alloc : memref<!tpu.dma_semaphore, #tpu.memory_space<semaphore_mem>>
        %dma_start3A_114 = tpu.memref_slice %arg3[%select_n3A, %mul3A_37] : memref<4x1024xf32, #tpu.memory_space<hbm>> -> memref<1x128xf32, #tpu.memory_space<hbm>>
        %dma_start3A_115 = tpu.memref_squeeze %dma_start3A_114 : memref<1x128xf32, #tpu.memory_space<hbm>> -> memref<128xf32, #tpu.memory_space<hbm>>
        %dma_start3A_116 = tpu.memref_slice %arg3[%select_n3A, %mul3A_37] : memref<4x1024xf32, #tpu.memory_space<hbm>> -> memref<1x128xf32, #tpu.memory_space<hbm>>
        %dma_start3A_117 = tpu.memref_squeeze %dma_start3A_116 : memref<1x128xf32, #tpu.memory_space<hbm>> -> memref<128xf32, #tpu.memory_space<hbm>>
        tpu.enqueue_dma source(%arg8 : memref<128xf32, #tpu.memory_space<vmem>>) target(%dma_start3A_117 : memref<128xf32, #tpu.memory_space<hbm>>) target_semaphore(%run_scoped3A : memref<!tpu.dma_semaphore, #tpu.memory_space<semaphore_mem>>)
        %dma_wait3A = tpu.memref_slice %arg3[%select_n3A, %mul3A_37] : memref<4x1024xf32, #tpu.memory_space<hbm>> -> memref<1x128xf32, #tpu.memory_space<hbm>>
        %dma_wait3A_118 = tpu.memref_squeeze %dma_wait3A : memref<1x128xf32, #tpu.memory_space<hbm>> -> memref<128xf32, #tpu.memory_space<hbm>>
        %dma_wait3A_119 = tpu.memref_slice %arg3[%select_n3A, %mul3A_37] : memref<4x1024xf32, #tpu.memory_space<hbm>> -> memref<1x128xf32, #tpu.memory_space<hbm>>
        %dma_wait3A_120 = tpu.memref_squeeze %dma_wait3A_119 : memref<1x128xf32, #tpu.memory_space<hbm>> -> memref<128xf32, #tpu.memory_space<hbm>>
        tpu.wait_dma2 semaphore(%run_scoped3A : memref<!tpu.dma_semaphore, #tpu.memory_space<semaphore_mem>>) src(%arg8 : memref<128xf32, #tpu.memory_space<vmem>>) dst(%dma_wait3A_120 : memref<128xf32, #tpu.memory_space<hbm>>)
        tpu.yield
      }) : () -> ()
    } else {
    }
    return
  }
}

module attributes {stable_mosaic.version = 14 : i64} {
  func.func @_tc_body(%arg0: i32, %arg1: memref<2048x1024xf32, #tpu.memory_space<vmem>>, %arg2: memref<12x1024xf32, #tpu.memory_space<vmem>>) attributes {dimension_semantics = [#tpu.dimension_semantics<arbitrary>], iteration_bounds = array<i64: 6>, scalar_prefetch = 0 : i64, scratch_operands = 0 : i64, tpu.core_type = #tpu.core_type<tc>, window_params = [{transform_indices = @transform_0, window_bounds = array<i64: 2048, 1024>}, {pipeline_mode = #tpu.pipeline_mode<synchronous>, transform_indices = @transform_1, window_bounds = array<i64: 12, 1024>}]} {
    %get3A = arith.constant 0 : index
    %get3A_0 = arith.constant 0 : index
    %get3A_1 = vector.load %arg1[%get3A, %get3A_0] : memref<2048x1024xf32, #tpu.memory_space<vmem>>, vector<1024x1024xf32>
    %reduce_sum3A = arith.constant dense<0.000000e+00> : vector<1024xf32>
    %reduce_sum3A_2 = vector.multi_reduction <add>, %get3A_1, %reduce_sum3A [0] : vector<1024x1024xf32> to vector<1024xf32>
    %mul3A = arith.constant 9.765625E-4 : f32
    %mul3A_3 = vector.broadcast %mul3A : f32 to vector<1024xf32>
    %mul3A_4 = arith.mulf %reduce_sum3A_2, %mul3A_3 : vector<1024xf32>
    %mul3A_5 = arith.constant 2 : i32
    %mul3A_6 = arith.muli %mul3A_5, %arg0 : i32
    %swap3A = arith.index_cast %mul3A_6 : i32 to index
    %swap3A_7 = arith.constant 0 : index
    %swap3A_8 = vector.load %arg2[%swap3A, %swap3A_7] : memref<12x1024xf32, #tpu.memory_space<vmem>>, vector<1x1024xf32>
    %swap3A_9 = vector.shape_cast %swap3A_8 : vector<1x1024xf32> to vector<1024xf32>
    %swap3A_10 = vector.shape_cast %mul3A_4 : vector<1024xf32> to vector<1x1024xf32>
    tpu.vector_store %arg2[%swap3A, %swap3A_7], %swap3A_10 {strides = array<i32>} : memref<12x1024xf32, #tpu.memory_space<vmem>>, vector<1x1024xf32>,
    %get3A_11 = arith.constant 1024 : index
    %get3A_12 = arith.constant 0 : index
    %get3A_13 = vector.load %arg1[%get3A_11, %get3A_12] : memref<2048x1024xf32, #tpu.memory_space<vmem>>, vector<1024x1024xf32>
    %reduce_sum3A_14 = arith.constant dense<0.000000e+00> : vector<1024xf32>
    %reduce_sum3A_15 = vector.multi_reduction <add>, %get3A_13, %reduce_sum3A_14 [0] : vector<1024x1024xf32> to vector<1024xf32>
    %mul3A_16 = arith.constant 9.765625E-4 : f32
    %mul3A_17 = vector.broadcast %mul3A_16 : f32 to vector<1024xf32>
    %mul3A_18 = arith.mulf %reduce_sum3A_15, %mul3A_17 : vector<1024xf32>
    %mul3A_19 = arith.constant 2 : i32
    %mul3A_20 = arith.muli %mul3A_19, %arg0 : i32
    %add3A = arith.constant 1 : i32
    %add3A_21 = arith.addi %mul3A_20, %add3A : i32
    %swap3A_22 = arith.index_cast %add3A_21 : i32 to index
    %swap3A_23 = arith.constant 0 : index
    %swap3A_24 = vector.load %arg2[%swap3A_22, %swap3A_23] : memref<12x1024xf32, #tpu.memory_space<vmem>>, vector<1x1024xf32>
    %swap3A_25 = vector.shape_cast %swap3A_24 : vector<1x1024xf32> to vector<1024xf32>
    %swap3A_26 = vector.shape_cast %mul3A_18 : vector<1024xf32> to vector<1x1024xf32>
    tpu.vector_store %arg2[%swap3A_22, %swap3A_23], %swap3A_26 {strides = array<i32>} : memref<12x1024xf32, #tpu.memory_space<vmem>>, vector<1x1024xf32>,
    return
  }
  func.func @transform_0(%arg0: i32) -> (i32, i32) {
    %add3A = arith.constant 2 : i32
    %add3A_0 = arith.addi %arg0, %add3A : i32
    %c0_i32 = arith.constant 0 : i32
    %c0_i32_1 = arith.constant 0 : i32
    return %add3A_0, %c0_i32 : i32, i32
  }
  func.func @transform_1(%arg0: i32) -> (i32, i32) {
    %c0_i32 = arith.constant 0 : i32
    %c0_i32_0 = arith.constant 0 : i32
    %c0_i32_1 = arith.constant 0 : i32
    return %c0_i32, %c0_i32_0 : i32, i32
  }
}

</mosaic_0001>

<sc_bundles>
// kernel: kernel.4.cloned.1.call-start
scs
__scs_entry_jumppad:
0x0: {  	(pc) =	sbr.rel $0x88, $3  }
0x1: {  	(tag) =	ssettag $0x0;
	lr =	simm.s32 $0x1  }
0x2: {  	[smem:$0x3FA0] =	sst lr;
	_ =	strace $0xD0000000  }
0x3: {  	_ = 	snop  }
0x4: {  	_ = 	snop  }
0x5: {  	_ = 	snop  }
0x6: {  	_ = 	snop  }
0x7: {  	_ = 	snop  }
__scs_overlays_trampoline_lowered:
0x8: {  	[smem:$0x3FAF] =	sst s0  }
0x9: {  	[smem:$0x3FB0] =	sst s1  }
0xa: {  	[smem:$0x3FB1] =	sst s2  }
0xb: {  	[smem:$0x3FB2] =	sst s3  }
0xc: {  	[smem:$0x3FB3] =	sst s4  }
0xd: {  	[smem:$0x3FB4] =	sst s5  }
0xe: {  	[smem:$0x3FB5] =	sst s6  }
0xf: {  	[smem:$0x3FB6] =	sst s7  }
0x10: {  	[smem:$0x3FB7] =	sst s8  }
0x11: {  	[smem:$0x3FB8] =	sst s9;
	s0 =	simm.s32 @!p0 $0x0  }
0x12: {  	s1 =	sld [smem:$0x3F9E];
	s0 =	simm.s32 @p0 $0x1  }
0x13: {  	[smem:$0x3FB9] =	sst s0;
	s0 =	simm.s32 @!p1 $0x0  }
0x14: {  	s2 =	sld [smem:$0x3F9D];
	s0 =	simm.s32 @p1 $0x1  }
0x15: {  	[smem:$0x3FBA] =	sst s0;
	s0 =	simm.s32 @!p2 $0x0  }
0x16: {  	s3 =	sld [smem:$0x3FDB];
	s0 =	simm.s32 @p2 $0x1  }
0x17: {  	s4 =	simm.s32 $0x1BF5;
	[smem:$0x3FBC] =	sst s0  }
0x18: {  	s0 =	sld [smem:$0x3F9F];
	_ =	swait.ge [sflag:s4], $0x0  }
0x19: {  	s7 =	sld [smem:$0x3FA0]  }
0x1a: {  	s8 =	sadd.s32 $0xFFFFE003, lr  }
0x1b: {  	s9 =	sadd.s32 $0xFFFFFEF7, lr;
	s5 =	simm.s32 $0xFFFFFFFF;
	p2 =	slt.u32 s8, $0xFFFFF086  }
0x1c: {  	p1 =	slt.u32 s9, $0xF7A;
	s5 =	simm.s32 @!p2 $0x0  }
0x1d: {  	s5 =	simm.s32 @p1 $0x1;
	p0 =	seq.s32 s7, s2  }
0x1e: {  	s7 =	smul.u32 @!p0 $0xF7A, s2;
	p2 =	seq.s32 @!p0 s5, $0x0  }
0x1f: {  	s9 =	smul.u32 $0xF7A, s1;
	s8 =	simm.s32 @!p0 $0x1BF5;
	p2 =	por !p2, p0  }
0x20: {  	[sflag:s8] =	ssyncset.s32 @!p0 $0xFFFFF086;
	s6 =	sadd.s32 @!p0 s3, s7;
	s7 =	simm.s32 @!p0 $0x108  }
0x21: {  	s3 =	sadd.s32 s3, s9;
	s6 =	sadd.s32 @!p0 $0x88, s6;
	s7 =	simm.s32 @p2 $0x1082  }
0x22: {  	[simem:s7], [sflag:s8] =	dma.local @!p0 [hbm:s6], $0xF7A  }
0x23: {  	s9 =	sor.u32 $0xD0000000, s2;
	s6 =	simm.s32 $0x108;
	_ =	swait.ge @!p0 [sflag:s8], $0x0  }
0x24: {  	s3 =	sadd.s32 $0x88, s3;
	s6 =	simm.s32 @!p1 $0x1082;
	[sflag:s4] =	ssyncset.s32 $0xFFFFF086  }
0x25: {  	[simem:s6], [sflag:s4] =	dma.local [hbm:s3], $0xF7A  }
0x26: {  	[smem:$0x3FA0] =	sst s1;
	(tag) =	ssettag s2;
	_ =	strace s9  }
0x27: {  	s1 =	sld [smem:$0x3FB0]  }
0x28: {  	s2 =	sld [smem:$0x3FB1]  }
0x29: {  	s4 =	sld [smem:$0x3FB3]  }
0x2a: {  	p0 =	seq.s32 s5, $0x0;
	s5 =	sld [smem:$0x3FB4]  }
0x2b: {  	s6 =	sld [smem:$0x3FB5]  }
0x2c: {  	s7 =	sld [smem:$0x3FB6]  }
0x2d: {  	s3 =	simm.s32 $0x108;
	s8 =	sld [smem:$0x3FB7]  }
0x2e: {  	s3 =	simm.s32 @!p0 $0x1082;
	s9 =	sld [smem:$0x3FB8]  }
0x2f: {  	lr =	sadd.s32 s0, s3;
	s0 =	sld [smem:$0x3FAF]  }
0x30: {  	s3 =	sld [smem:$0x3FB2]  }
0x31: {  	[smem:$0x3FBB] =	sst s10  }
0x32: {  	s10 =	sld [smem:$0x3FB9];
	_ =	sdelay $0x3  }
0x33: {  	p0 =	seq.s32 s10, $0x1;
	s10 =	sld [smem:$0x3FBB];
	_ =	sdelay $0x3  }
0x34: {  	[smem:$0x3FBB] =	sst s10  }
0x35: {  	s10 =	sld [smem:$0x3FBA];
	_ =	sdelay $0x3  }
0x36: {  	p1 =	seq.s32 s10, $0x1;
	s10 =	sld [smem:$0x3FBB];
	_ =	sdelay $0x3  }
0x37: {  	[smem:$0x3FBB] =	sst s10  }
0x38: {  	s10 =	sld [smem:$0x3FBC]  }
0x39: {  	_ = 	snop;
	(pc) =	sbr.ind lr, $3  }
0x3a: {  	_ = 	snop  }
0x3b: {  	_ = 	snop  }
0x3c: {  	p2 =	seq.s32 s10, $0x1;
	s10 =	sld [smem:$0x3FBB]  }
0x3d: {  	_ =	shalt  }
0x3e: {  	_ =	shalt  }
0x3f: {  	_ =	shalt  }
0x40: {  	_ =	shalt  }
0x41: {  	_ =	shalt  }
0x42: {  	_ =	shalt  }
0x43: {  	_ =	shalt  }
0x44: {  	_ =	shalt  }
0x45: {  	_ =	shalt  }
0x46: {  	_ =	shalt  }
0x47: {  	_ =	shalt  }
0x48: {  	_ =	shalt  }
0x49: {  	_ =	shalt  }
0x4a: {  	_ =	shalt  }
0x4b: {  	_ =	shalt  }
0x4c: {  	_ =	shalt  }
0x4d: {  	_ =	shalt  }
0x4e: {  	_ =	shalt  }
0x4f: {  	_ =	shalt  }
0x50: {  	_ =	shalt  }
0x51: {  	_ =	shalt  }
0x52: {  	_ =	shalt  }
0x53: {  	_ =	shalt  }
0x54: {  	_ =	shalt  }
0x55: {  	_ =	shalt  }
0x56: {  	_ =	shalt  }
0x57: {  	_ =	shalt  }
0x58: {  	_ =	shalt  }
0x59: {  	_ =	shalt  }
0x5a: {  	_ =	shalt  }
0x5b: {  	_ =	shalt  }
0x5c: {  	_ =	shalt  }
0x5d: {  	_ =	shalt  }
0x5e: {  	_ =	shalt  }
0x5f: {  	_ =	shalt  }
0x60: {  	_ =	shalt  }
0x61: {  	_ =	shalt  }
0x62: {  	_ =	shalt  }
0x63: {  	_ =	shalt  }
0x64: {  	_ =	shalt  }
0x65: {  	_ =	shalt  }
0x66: {  	_ =	shalt  }
0x67: {  	_ =	shalt  }
0x68: {  	_ =	shalt  }
0x69: {  	_ =	shalt  }
0x6a: {  	_ =	shalt  }
0x6b: {  	_ =	shalt  }
0x6c: {  	_ =	shalt  }
0x6d: {  	_ =	shalt  }
0x6e: {  	_ =	shalt  }
0x6f: {  	_ =	shalt  }
0x70: {  	_ =	shalt  }
0x71: {  	_ =	shalt  }
0x72: {  	_ =	shalt  }
0x73: {  	_ =	shalt  }
0x74: {  	_ =	shalt  }
0x75: {  	_ =	shalt  }
0x76: {  	_ =	shalt  }
0x77: {  	_ =	shalt  }
0x78: {  	_ =	shalt  }
0x79: {  	_ =	shalt  }
0x7a: {  	_ =	shalt  }
0x7b: {  	_ =	shalt  }
0x7c: {  	_ =	shalt  }
0x7d: {  	_ =	shalt  }
0x7e: {  	_ =	shalt  }
0x7f: {  	_ =	shalt  }
0x80: {  	_ =	shalt  }
0x81: {  	_ =	shalt  }
0x82: {  	_ =	shalt  }
0x83: {  	_ =	shalt  }
0x84: {  	_ =	shalt  }
0x85: {  	_ =	shalt  }
0x86: {  	_ =	shalt  }
0x87: {  	_ =	shalt  }
.Lfunc_end0:
.L_simem_size_0:
called_computation_lowered:
.L_overlay_start_0:
0x88: {  	s2 =	sld [smem:$0x3FD9]  }
0x89: {  	s3 =	sld [smem:$0x3FFE];
	_ =	sdelay $0x1  }
0x8a: {  	s1 =	srdreg.scid  }
0x8b: {  	s0 =	sand.u32 $0x1, s1  }
0x8c: {  	s17 =	sshll.u32 s0, $0xA;
	s2 =	sadd.s32 s3, s2  }
0x8d: {  	s2 =	sadd.s32 s2, s17  }
0x8e: {  	[smem:$0x3FC7] =	sst s2  }
0x8f: {  	_ = 	snop  }
0x90: {  	s2 =	sld [smem:$0x3FC9];
	(tm) =	ssettm $0x1  }
0x91: {  	s18 =	sld [smem:$0x3FFB];
	_ =	sdelay $0x3  }
0x92: {  	_ =	strace s18  }
0x93: {  	s3 =	sld [smem:$0x3FFC];
	_ =	sdelay $0x3  }
0x94: {  	_ =	strace s3  }
0x95: {  	s3 =	sld [smem:$0x3FFD];
	_ =	sdelay $0x3  }
0x96: {  	_ =	strace s3  }
0x97: {  	_ =	strace $0x8FFFFFFF  }
0x98: {  	s19 =	sld [smem:$0x3FDB];
	_ =	sdelay $0x1  }
0x99: {  	s4 =	simm.s32 $_scs_section_size  }
0x9a: {  	s5 =	simm.s32 $_size__tile_overlayer_lowered;
	s6 =	simm.s32 $_tile_overlayer_lowered  }
0x9b: {  	s22 =	simm.s32 $0x1BFF;
	s21 =	sshll.u32 s6, $0x1;
	s3 =	sadd.s32 s4, s19  }
0x9c: {  	s7 =	simm.s32 $0x0;
	s20 =	sshll.u32 s5, $0x1;
	s5 =	sadd.s32 s21, s3  }
0x9d: {  	[timem:s7], [sflag:s22] =	dma.local [hbm:s5], s20  }
0x9e: {  	_ =	swait.ge [sflag:s22], s20  }
0x9f: {  	s4 =	ssub.s32 $0x0, s20;
	[sflag:s22] =	ssyncset.done $0x0  }
0xa0: {  	[sflag:s22] =	ssyncadd.s32 s4;
	_ =	sdelay $0x1  }
0xa1: {  	s23 =	simm.s32 $0x1B8B  }
0xa2: {  	_ =	swait.ge [sflag:s23], $0x1  }
0xa3: {  	[sflag:s23] =	ssyncset.done $0x0  }
0xa4: {  	s25 =	simm.s32 $0x1B8E;
	s24 =	sld [smem:$0x3FFE];
	[sflag:s23] =	ssyncadd.s32 $0xFFFFFFFF  }
0xa5: {  	s26 =	simm.s32 $execute0_lowered;
	[smem:$0x3FD2] =	sst s25  }
0xa6: {  	s5 =	sshll.u32 s26, $0x1;
	_ =	strace $0x80000046;
	[dreg:$0x1] =	wrdreg $0xFFFFFFFF  }
0xa7: {  	s28 =	simm.s32 $_size_execute0_lowered;
	s3 =	sadd.s32 s3, s5;
	[dreg:$0x0] =	wrdreg $0x0  }
0xa8: {  	s5 =	sshll.u32 s28, $0x1;
	[dreg:$0x2] =	wrdreg s3  }
0xa9: {  	[dreg:$0x3] =	wrdreg s5  }
0xaa: {  	[dreg:$0x4] =	wrdreg $0xC0  }
0xab: {  	_ =	task [dreg:s7], $0x5FFFF  }
0xac: {  	[dreg:$0x1] =	wrdreg $0xFFFFFFFF  }
0xad: {  	[dreg:$0x0] =	wrdreg $0x60  }
0xae: {  	[dreg:$0x2] =	wrdreg s2  }
0xaf: {  	[dreg:$0x3] =	wrdreg s24  }
0xb0: {  	[dreg:$0x4] =	wrdreg $0x9  }
0xb1: {  	_ =	task.clear_ibuf [dreg:s7], $0x5FFFF;
	_ =	strace $0x90000046  }
0xb2: {  	s29 =	simm.s32 $0x9;
	_ =	strace $0x80000048  }
0xb3: {  	_ =	swait.ge [sflag:s29], $0x1  }
0xb4: {  	[sflag:s29] =	ssyncadd.s32 $0xFFFFFFFF  }
0xb5: {  	_ =	strace $0x90000048  }
0xb6: {  	_ =	sfence  }
0xb7: {  	s30 =	sld [smem:$0x0];
	_ =	sdelay $0x2  }
0xb8: {  	s31 =	sshll.u32 s1, $0xD;
	s1 =	sshrl.u32 s1, $0x2  }
0xb9: {  	s3 =	sand.u32 $0x4000, s31;
	s1 =	sadd.s32 s1, s30  }
0xba: {  	s0 =	sor.u32 s3, s0;
	s1 =	sshll.u32 s1, $0x11  }
0xbb: {  	s0 =	sor.u32 s1, s0  }
0xbc: {  	s0 =	sadd.s32 $0x8F2B, s0  }
0xbd: {  	[sflag:s0] =	ssyncadd.remote.s32 $0x1  }
0xbe: {  	_ =	sfence.sel $0xFFFF  }
0xbf: {  	[dreg:$0x0] =	wrdreg $0xFFFFFFFF;
	(pc) =	sbr.abs _section_cstart, $3  }
0xc0: {  	[dreg:$0x1] =	wrdreg $0xFFFFFFFF  }
0xc1: {  	_ =	task.clear_ibuf [dreg:s7], $0x2FFFF;
	_ =	strace $0x9FFFFFFF  }
0xc2: {  	(tm) =	ssettm $0x7FFFFFFF  }
0xc3: {  	_ =	shalt  }
tec
execute0_lowered:
.L_overlay_start_1:
0x0: {  	(tag) =	ssettag $0x1  }
0x1: {  	s2 =	rddreg [dreg:$0x0]  }
0x2: {  	s4 =	rddreg [dreg:$0x1]  }
0x3: {  	s0 =	rddreg [dreg:$0x2];
	s1 =	stileid.u32;
	s3 =	simm.s32 $0x0  }
0x4: {  	s5 =	srdreg.scid;
	s14 =	simm.s32 $0x400;
	s15 =	simm.s32 $0x2000  }
0x5: {  	s16 =	simm.s32 $0x1000;
	s17 =	simm.s32 $0x3000;
	s18 =	simm.s32 $0x1  }
0x6: {  	s19 =	simm.s32 $0x2;
	s20 =	simm.s32 $0x3;
	s21 =	simm.s32 $0x4  }
0x7: {  	s22 =	simm.s32 $0x4000;
	s23 =	simm.s32 $0x5;
	s24 =	simm.s32 $0x0  }
0x8: {  	s6 =	sshll.u32 s1, $0x1;
	[smem:$0x7FF] =	sst s3;
	s5 =	sand.u32 $0x1, s5  }
0x9: {  	s7 =	sshrl.u32 s1, $0x2;
	s6 =	sand.u32 $0x6, s6;
	_ =	strace $0x80000047  }
0xa: {  	s9 =	sshll.u32 s7, $0x11;
	s10 =	sshll.u32 s7, $0x4;
	s30 =	sshll.u32 s7, $0xA  }
0xb: {  	s8 =	sor.u32 s5, s6;
	s5 =	ssub.s32 $0x2, s5;
	s10 =	sadd.s32 s10, s4  }
0xc: {  	s6 =	sshll.u32 s8, $0x7;
	s11 =	sshrl.u32 s5, $0x1;
	s31 =	sor.u32 s8, s30  }
.Ltmp0:
0xd: {  	s12 =	sshll.u32 s8, $0x6;
	s6 =	sor.u32 s9, s6;
	(pc) =	sbr.rel .LBB2_1-.Ltmp0, $4  }
0xe: {  	s13 =	ssub.s32 s5, s11;
	s8 =	sor.u32 $0x80, s31;
	s9 =	sor.u32 $0xA0, s31  }
0xf: {  	s12 =	sadd.s32 s12, s10;
	s10 =	sor.u32 $0xC0, s31;
	s11 =	sor.u32 $0xE0, s31  }
0x10: {  	s4 =	sadd.s32 s2, s6;
	s12 =	sadd.s32 $0x400, s12;
	s13 =	smax.u32 s13, $0x1  }
0x11: {  	s5 =	sadd.s32 $0x1000, s4;
	s6 =	sadd.s32 $0x2000, s4;
	s7 =	sadd.s32 $0x3000, s4  }
.LBB2_12:
0x12: {  	v6 =	vmul.f32 $9.765625000e-04, v6  }
0x13: {  	v7 =	vmul.f32 $9.765625000e-04, v7  }
0x14: {  	v4 =	vmul.f32 $9.765625000e-04, v4;
	[tilespmem:$0x4000] =	vst v6  }
0x15: {  	v3 =	vmul.f32 $9.765625000e-04, v3;
	[tilespmem:$0x4010] =	vst v7  }
0x16: {  	v2 =	vmul.f32 $9.765625000e-04, v2;
	[tilespmem:$0x4020] =	vst v4  }
0x17: {  	v1 =	vmul.f32 $9.765625000e-04, v1;
	[tilespmem:$0x4030] =	vst v3  }
0x18: {  	v0 =	vmul.f32 $9.765625000e-04, v0;
	[tilespmem:$0x4040] =	vst v2  }
0x19: {  	v63 =	vmul.f32 $9.765625000e-04, v5;
	s24 =	sadd.s32 $0x1, s24;
	[tilespmem:$0x4050] =	vst v1  }
0x1a: {  	p0 =	sne.s32 s24, s13;
	[tilespmem:$0x4060] =	vst v0  }
.Ltmp1:
0x1b: {  	[tilespmem:$0x4070] =	vst v63;
	(pc) =	sbr.rel @!p0 .LBB2_13-.Ltmp1, $4  }
0x1c: {  	[hbm4b:s12+s3] =	stream.linear.scatter [tilespmem:s22], [sflag:$0x5], $0x80, $0x38;
	[tilespmem:$0x4080] =	vst v63  }
0x1d: {  	_ =	swait.ge [sflag:s23], $0x80  }
0x1e: {  	[sflag:s23] =	ssyncset.done $0x0  }
0x1f: {  	[sflag:s23] =	ssyncadd.s32 $0xFFFFFF80  }
.LBB2_1:
0x20: {  	[tilespmem:s3], [sflag:$0x1] =	stream.strided.gather [hbm4b:s4+s14], $0x1000, s15, s14, $0x38;
	[tilespmem:$0x4080] =	vst v63  }
0x21: {  	_ = 	snop  }
0x22: {  	[tilespmem:s16], [sflag:$0x2] =	stream.strided.gather [hbm4b:s5+s14], $0x1000, s15, s14, $0x38;
	[tilespmem:$0x4080] =	vst v63  }
0x23: {  	_ = 	snop  }
0x24: {  	v5 =	vimm.f32 $0.0e+00;
	v0 =	vimm.f32 $0.0e+00;
	[tilespmem:s15], [sflag:$0x3] =	stream.strided.gather [hbm4b:s6+s14], $0x1000, s15, s14, $0x38;
	[tilespmem:$0x4080] =	vst v63  }
0x25: {  	v1 =	vimm.f32 $0.0e+00;
	v2 =	vimm.f32 $0.0e+00;
	v3 =	vimm.f32 $0.0e+00;
	s25 =	simm.s32 $0x0  }
0x26: {  	v4 =	vimm.f32 $0.0e+00;
	v7 =	vimm.f32 $0.0e+00;
	v6 =	vimm.f32 $0.0e+00;
	[tilespmem:s17], [sflag:$0x4] =	stream.strided.gather [hbm4b:s7+s14], $0x1000, s15, s14, $0x38;
	[tilespmem:$0x4080] =	vst v63  }
.LBB2_2:
0x27: {  	_ =	swait.ge [sflag:s18], $0x1000  }
0x28: {  	[sflag:s18] =	ssyncset.done $0x0  }
0x29: {  	s29 =	simm.s32 $0x0;
	[sflag:s18] =	ssyncadd.s32 $0xFFFFF000  }
0x2a: {  	v11 =	vld [tilespmem:s29+$0x70]  }
0x2b: {  	v12 =	vld [tilespmem:s29+$0x0]  }
0x2c: {  	v13 =	vld [tilespmem:s29+$0x10]  }
0x2d: {  	v9 =	vld [tilespmem:s29+$0x20]  }
0x2e: {  	v10 =	vld [tilespmem:s29+$0x30]  }
0x2f: {  	v8 =	vld [tilespmem:s29+$0x40]  }
0x30: {  	v5 =	vadd.f32 v11, v5;
	v11 =	vld [tilespmem:s29+$0x50]  }
0x31: {  	s28 =	simm.s32 $0x80;
	s26 =	simm.s32 $0x400;
	v6 =	vadd.f32 v12, v6;
	v7 =	vadd.f32 v13, v7;
	v12 =	vld [tilespmem:s29+$0x60]  }
.LBB2_3:
0x32: {  	p0 =	sne.s32 s26, $0x3E00;
	v13 =	vld [tilespmem:s28+$0x70];
	v4 =	vadd.f32 v9, v4  }
0x33: {  	v14 =	vld [tilespmem:s28+$0x0];
	v3 =	vadd.f32 v10, v3  }
0x34: {  	v15 =	vld [tilespmem:s28+$0x10];
	v2 =	vadd.f32 v8, v2  }
.Ltmp2:
0x35: {  	v9 =	vld [tilespmem:s28+$0x20];
	v1 =	vadd.f32 v11, v1;
	(pc) =	sbr.rel @p0 .LBB2_3-.Ltmp2, $4  }
0x36: {  	v10 =	vld [tilespmem:s28+$0x30];
	v0 =	vadd.f32 v12, v0  }
0x37: {  	v8 =	vld [tilespmem:s28+$0x40];
	v5 =	vadd.f32 v13, v5  }
0x38: {  	v6 =	vadd.f32 v14, v6;
	v11 =	vld [tilespmem:s28+$0x50]  }
0x39: {  	v7 =	vadd.f32 v15, v7;
	v12 =	vld [tilespmem:s28+$0x60];
	s28 =	sshra.s32 s26, $0x2;
	s26 =	sadd.s32 $0x200, s26  }
0x3a: {  	v13 =	vld [tilespmem:s28+$0x70]  }
0x3b: {  	v14 =	vld [tilespmem:s28+$0x0]  }
0x3c: {  	v15 =	vld [tilespmem:s28+$0x10]  }
0x3d: {  	v16 =	vld [tilespmem:s28+$0x20]  }
0x3e: {  	s26 =	sshll.u32 s25, $0x7;
	p0 =	seq.s32 s25, $0x7;
	v17 =	vld [tilespmem:s28+$0x30]  }
0x3f: {  	v18 =	vld [tilespmem:s28+$0x40];
	s29 =	sadd.s32 @!p0 s26, s8  }
0x40: {  	v19 =	vld [tilespmem:s28+$0x50];
	s29 =	sshll.u32 @!p0 s29, $0x7  }
0x41: {  	v20 =	vld [tilespmem:s28+$0x60];
	s28 =	simm.s32 @!p0 $0x400;
	s29 =	sand.u32 @!p0 $0x1FFFC380, s29  }
0x42: {  	s30 =	simm.s32 @!p0 $0x2000;
	s31 =	simm.s32 @!p0 $0x0;
	s29 =	sadd.s32 @!p0 s2, s29  }
0x43: {  	[tilespmem:s31], [sflag:$0x1] =	stream.strided.gather @!p0 [hbm4b:s29+s28], $0x1000, s30, s28, $0x38;
	[tilespmem:$0x4080] =	vst v63  }
0x44: {  	_ =	swait.ge [sflag:s19], $0x1000  }
0x45: {  	[sflag:s19] =	ssyncset.done $0x0  }
0x46: {  	s31 =	simm.s32 $0x0;
	[sflag:s19] =	ssyncadd.s32 $0xFFFFF000  }
0x47: {  	v4 =	vadd.f32 v9, v4;
	v3 =	vadd.f32 v10, v3;
	v21 =	vld [tilespmem:s31+$0x1070]  }
0x48: {  	v2 =	vadd.f32 v8, v2;
	v10 =	vadd.f32 v11, v1;
	v22 =	vld [tilespmem:s31+$0x1000]  }
0x49: {  	v11 =	vadd.f32 v12, v0;
	v5 =	vadd.f32 v13, v5;
	v12 =	vld [tilespmem:s31+$0x1010]  }
0x4a: {  	v6 =	vadd.f32 v14, v6;
	v7 =	vadd.f32 v15, v7;
	v8 =	vld [tilespmem:s31+$0x1020]  }
0x4b: {  	v0 =	vadd.f32 v16, v4;
	v1 =	vadd.f32 v17, v3;
	v9 =	vld [tilespmem:s31+$0x1030]  }
0x4c: {  	v2 =	vadd.f32 v18, v2;
	v3 =	vadd.f32 v19, v10;
	v10 =	vld [tilespmem:s31+$0x1040]  }
0x4d: {  	v4 =	vadd.f32 v20, v11;
	v11 =	vld [tilespmem:s31+$0x1050];
	v5 =	vadd.f32 v21, v5  }
0x4e: {  	s28 =	simm.s32 $0x80;
	s29 =	simm.s32 $0x400;
	v6 =	vadd.f32 v22, v6;
	v7 =	vadd.f32 v12, v7;
	v12 =	vld [tilespmem:s31+$0x1060]  }
.LBB2_5:
0x4f: {  	p1 =	sne.s32 s29, $0x3E00;
	v13 =	vld [tilespmem:s28+$0x1070];
	v0 =	vadd.f32 v8, v0  }
0x50: {  	v14 =	vld [tilespmem:s28+$0x1000];
	v1 =	vadd.f32 v9, v1  }
0x51: {  	v15 =	vld [tilespmem:s28+$0x1010];
	v2 =	vadd.f32 v10, v2  }
.Ltmp3:
0x52: {  	v8 =	vld [tilespmem:s28+$0x1020];
	v3 =	vadd.f32 v11, v3;
	(pc) =	sbr.rel @p1 .LBB2_5-.Ltmp3, $4  }
0x53: {  	v9 =	vld [tilespmem:s28+$0x1030];
	v4 =	vadd.f32 v12, v4  }
0x54: {  	v10 =	vld [tilespmem:s28+$0x1040];
	v5 =	vadd.f32 v13, v5  }
0x55: {  	v6 =	vadd.f32 v14, v6;
	v11 =	vld [tilespmem:s28+$0x1050]  }
0x56: {  	v7 =	vadd.f32 v15, v7;
	v12 =	vld [tilespmem:s28+$0x1060];
	s28 =	sshra.s32 s29, $0x2;
	s29 =	sadd.s32 $0x200, s29  }
0x57: {  	v13 =	vld [tilespmem:s28+$0x1070]  }
0x58: {  	v14 =	vld [tilespmem:s28+$0x1000]  }
0x59: {  	v15 =	vld [tilespmem:s28+$0x1010]  }
0x5a: {  	v16 =	vld [tilespmem:s28+$0x1020]  }
0x5b: {  	v17 =	vld [tilespmem:s28+$0x1030]  }
0x5c: {  	s29 =	sadd.s32 @!p0 s26, s9;
	v18 =	vld [tilespmem:s28+$0x1040]  }
0x5d: {  	v19 =	vld [tilespmem:s28+$0x1050];
	s29 =	sshll.u32 @!p0 s29, $0x7  }
0x5e: {  	v20 =	vld [tilespmem:s28+$0x1060];
	s28 =	simm.s32 @!p0 $0x400;
	s29 =	sand.u32 @!p0 $0x1FFFD380, s29  }
0x5f: {  	s30 =	simm.s32 @!p0 $0x2000;
	s31 =	simm.s32 @!p0 $0x1000;
	s29 =	sadd.s32 @!p0 s2, s29  }
0x60: {  	[tilespmem:s31], [sflag:$0x2] =	stream.strided.gather @!p0 [hbm4b:s29+s28], $0x1000, s30, s28, $0x38;
	[tilespmem:$0x4080] =	vst v63  }
0x61: {  	_ =	swait.ge [sflag:s20], $0x1000  }
0x62: {  	[sflag:s20] =	ssyncset.done $0x0  }
0x63: {  	s31 =	simm.s32 $0x0;
	[sflag:s20] =	ssyncadd.s32 $0xFFFFF000  }
0x64: {  	v0 =	vadd.f32 v8, v0;
	v1 =	vadd.f32 v9, v1;
	v21 =	vld [tilespmem:s31+$0x2070]  }
0x65: {  	v2 =	vadd.f32 v10, v2;
	v3 =	vadd.f32 v11, v3;
	v22 =	vld [tilespmem:s31+$0x2000]  }
0x66: {  	v4 =	vadd.f32 v12, v4;
	v5 =	vadd.f32 v13, v5;
	v12 =	vld [tilespmem:s31+$0x2010]  }
0x67: {  	v6 =	vadd.f32 v14, v6;
	v7 =	vadd.f32 v15, v7;
	v8 =	vld [tilespmem:s31+$0x2020]  }
0x68: {  	v0 =	vadd.f32 v16, v0;
	v1 =	vadd.f32 v17, v1;
	v9 =	vld [tilespmem:s31+$0x2030]  }
0x69: {  	v2 =	vadd.f32 v18, v2;
	v3 =	vadd.f32 v19, v3;
	v10 =	vld [tilespmem:s31+$0x2040]  }
0x6a: {  	v4 =	vadd.f32 v20, v4;
	v11 =	vld [tilespmem:s31+$0x2050];
	v5 =	vadd.f32 v21, v5  }
0x6b: {  	s28 =	simm.s32 $0x80;
	s29 =	simm.s32 $0x400;
	v6 =	vadd.f32 v22, v6;
	v7 =	vadd.f32 v12, v7;
	v12 =	vld [tilespmem:s31+$0x2060]  }
.LBB2_7:
0x6c: {  	p1 =	sne.s32 s29, $0x3E00;
	v13 =	vld [tilespmem:s28+$0x2070];
	v0 =	vadd.f32 v8, v0  }
0x6d: {  	v14 =	vld [tilespmem:s28+$0x2000];
	v1 =	vadd.f32 v9, v1  }
0x6e: {  	v15 =	vld [tilespmem:s28+$0x2010];
	v2 =	vadd.f32 v10, v2  }
.Ltmp4:
0x6f: {  	v8 =	vld [tilespmem:s28+$0x2020];
	v3 =	vadd.f32 v11, v3;
	(pc) =	sbr.rel @p1 .LBB2_7-.Ltmp4, $4  }
0x70: {  	v9 =	vld [tilespmem:s28+$0x2030];
	v4 =	vadd.f32 v12, v4  }
0x71: {  	v10 =	vld [tilespmem:s28+$0x2040];
	v5 =	vadd.f32 v13, v5  }
0x72: {  	v6 =	vadd.f32 v14, v6;
	v11 =	vld [tilespmem:s28+$0x2050]  }
0x73: {  	v7 =	vadd.f32 v15, v7;
	v12 =	vld [tilespmem:s28+$0x2060];
	s28 =	sshra.s32 s29, $0x2;
	s29 =	sadd.s32 $0x200, s29  }
0x74: {  	v13 =	vld [tilespmem:s28+$0x2070]  }
0x75: {  	v14 =	vld [tilespmem:s28+$0x2000]  }
0x76: {  	v15 =	vld [tilespmem:s28+$0x2010]  }
0x77: {  	v16 =	vld [tilespmem:s28+$0x2020]  }
0x78: {  	v17 =	vld [tilespmem:s28+$0x2030];
	s29 =	sadd.s32 @!p0 s26, s10  }
0x79: {  	v18 =	vld [tilespmem:s28+$0x2040];
	s29 =	sshll.u32 @!p0 s29, $0x7  }
0x7a: {  	v19 =	vld [tilespmem:s28+$0x2050];
	s29 =	sand.u32 @!p0 $0x1FFFE380, s29  }
0x7b: {  	v20 =	vld [tilespmem:s28+$0x2060];
	s30 =	simm.s32 @!p0 $0x2000;
	s28 =	sadd.s32 @!p0 s2, s29;
	s29 =	simm.s32 @!p0 $0x400  }
0x7c: {  	[tilespmem:s30], [sflag:$0x3] =	stream.strided.gather @!p0 [hbm4b:s28+s29], $0x1000, s30, s29, $0x38;
	[tilespmem:$0x4080] =	vst v63  }
0x7d: {  	_ =	swait.ge [sflag:s21], $0x1000  }
0x7e: {  	[sflag:s21] =	ssyncset.done $0x0  }
0x7f: {  	s31 =	simm.s32 $0x0;
	[sflag:s21] =	ssyncadd.s32 $0xFFFFF000  }
0x80: {  	v0 =	vadd.f32 v8, v0;
	v1 =	vadd.f32 v9, v1;
	v21 =	vld [tilespmem:s31+$0x3070]  }
0x81: {  	v10 =	vadd.f32 v10, v2;
	v11 =	vadd.f32 v11, v3;
	v22 =	vld [tilespmem:s31+$0x3000]  }
0x82: {  	v4 =	vadd.f32 v12, v4;
	v5 =	vadd.f32 v13, v5;
	v12 =	vld [tilespmem:s31+$0x3010]  }
0x83: {  	v6 =	vadd.f32 v14, v6;
	v7 =	vadd.f32 v15, v7;
	v8 =	vld [tilespmem:s31+$0x3020]  }
0x84: {  	v2 =	vadd.f32 v16, v0;
	v0 =	vadd.f32 v17, v1;
	v9 =	vld [tilespmem:s31+$0x3030]  }
0x85: {  	v3 =	vadd.f32 v18, v10;
	v1 =	vadd.f32 v19, v11;
	v10 =	vld [tilespmem:s31+$0x3040]  }
0x86: {  	v4 =	vadd.f32 v20, v4;
	v11 =	vld [tilespmem:s31+$0x3050];
	v5 =	vadd.f32 v21, v5  }
0x87: {  	s28 =	simm.s32 $0x80;
	s29 =	simm.s32 $0x400;
	v6 =	vadd.f32 v22, v6;
	v7 =	vadd.f32 v12, v7;
	v12 =	vld [tilespmem:s31+$0x3060]  }
.LBB2_9:
0x88: {  	p1 =	sne.s32 s29, $0x3E00;
	v13 =	vld [tilespmem:s28+$0x3070];
	v2 =	vadd.f32 v8, v2  }
0x89: {  	v14 =	vld [tilespmem:s28+$0x3000];
	v0 =	vadd.f32 v9, v0  }
0x8a: {  	v15 =	vld [tilespmem:s28+$0x3010];
	v3 =	vadd.f32 v10, v3  }
.Ltmp5:
0x8b: {  	v8 =	vld [tilespmem:s28+$0x3020];
	v1 =	vadd.f32 v11, v1;
	(pc) =	sbr.rel @p1 .LBB2_9-.Ltmp5, $4  }
0x8c: {  	v9 =	vld [tilespmem:s28+$0x3030];
	v4 =	vadd.f32 v12, v4  }
0x8d: {  	v10 =	vld [tilespmem:s28+$0x3040];
	v5 =	vadd.f32 v13, v5  }
0x8e: {  	v6 =	vadd.f32 v14, v6;
	v11 =	vld [tilespmem:s28+$0x3050]  }
0x8f: {  	v7 =	vadd.f32 v15, v7;
	v12 =	vld [tilespmem:s28+$0x3060];
	s28 =	sshra.s32 s29, $0x2;
	s29 =	sadd.s32 $0x200, s29  }
0x90: {  	v13 =	vld [tilespmem:s28+$0x3070]  }
0x91: {  	v14 =	vld [tilespmem:s28+$0x3000]  }
0x92: {  	v15 =	vld [tilespmem:s28+$0x3010]  }
0x93: {  	v16 =	vld [tilespmem:s28+$0x3020]  }
0x94: {  	v17 =	vld [tilespmem:s28+$0x3030]  }
0x95: {  	v18 =	vld [tilespmem:s28+$0x3040]  }
0x96: {  	v2 =	vadd.f32 v8, v2;
	v8 =	vld [tilespmem:s28+$0x3050]  }
0x97: {  	v62 =	vld [tilespmem:s28+$0x3060];
	v0 =	vadd.f32 v9, v0;
	v61 =	vadd.f32 v10, v3  }
.Ltmp6:
0x98: {  	v1 =	vadd.f32 v11, v1;
	v63 =	vadd.f32 v12, v4;
	(pc) =	sbr.rel @p0 .LBB2_12-.Ltmp6, $4  }
0x99: {  	v5 =	vadd.f32 v13, v5;
	v6 =	vadd.f32 v14, v6  }
0x9a: {  	v7 =	vadd.f32 v15, v7;
	v4 =	vadd.f32 v16, v2  }
0x9b: {  	v3 =	vadd.f32 v17, v0;
	v2 =	vadd.f32 v18, v61  }
0x9c: {  	v1 =	vadd.f32 v8, v1;
	v0 =	vadd.f32 v62, v63  }
.Ltmp7:
0x9d: {  	s26 =	sadd.s32 s26, s11;
	(pc) =	sbr.rel .LBB2_2-.Ltmp7, $4  }
0x9e: {  	s26 =	sshll.u32 s26, $0x7  }
0x9f: {  	s26 =	sand.u32 $0x1FFFF380, s26  }
0xa0: {  	s25 =	sadd.s32 $0x1, s25;
	s26 =	sadd.s32 s2, s26  }
0xa1: {  	[tilespmem:s17], [sflag:$0x4] =	stream.strided.gather [hbm4b:s26+s14], $0x1000, s15, s14, $0x38;
	[tilespmem:$0x4080] =	vst v63  }
.LBB2_13:
0xa2: {  	_ =	sfence.sel $0x180000  }
0xa3: {  	[bflag:$0x0] =	sbarrier.arrive $0xFFFF  }
0xa4: {  	p0 =	sne.s32 s1, $0x0;
	_ =	strace $0x90000047  }
0xa5: {  	s0 =	sadd.s32 @!p0 $0x100000, s0;
	[bflag:$0x2] =	sbarrier.arrive $0xFFFF  }
0xa6: {  	[sflag:s0] =	ssyncadd.tile.s32 @!p0 $0x1;
	_ =	shalt  }
.Lfunc_end2:
_tile_overlayer_lowered:
.L_overlay_start_2:
0xa7: {  	(tag) =	ssettag $0x2  }
0xa8: {  	s0 =	rddreg [dreg:$0x0];
	s2 =	stileid.u32  }
0xa9: {  	s1 =	rddreg [dreg:$0x1];
	p0 =	sne.s32 s2, $0x0  }
0xaa: {  	s3 =	rddreg [dreg:$0x2];
	[bflag:$0x3] =	sbarrier.arrive $0xFFFF;
	s2 =	simm.s32 @!p0 $0x1C05  }
0xab: {  	[timem:s3], [sflag:s2] =	dma.local @!p0 [hbm:s0], s1  }
0xac: {  	s0 =	simm.s32 @!p0 $0x5  }
0xad: {  	_ =	swait.ge @!p0 [sflag:s0], s1  }
0xae: {  	s1 =	ssub.s32 @!p0 $0x0, s1;
	[sflag:s0] =	ssyncset.done @!p0 $0x0  }
0xaf: {  	[sflag:s0] =	ssyncadd.s32 @!p0 s1  }
0xb0: {  	[bflag:$0x3] =	sbarrier.arrive $0xFFFF  }
0xb1: {  	_ =	shalt  }

</sc_bundles>
